<compile_context>
chip_gen: v7x
topology: tpu7x:2x2x1
jax: 0.10.2.dev20260603
libtpu: 0.0.44.dev20260713+nightly
codegen_flags: <defaults>
</compile_context>

<pallas_src>
import functools

import jax
import jax.numpy as jnp
from jax import lax
from jax.experimental import pallas as pl
from jax.experimental.pallas import tpu as pltpu
from jax.experimental.pallas import tpu_sc as plsc

_CH = 40
_GB = 10
_NSUB = 16
_NCORE = 2
_RB = 64


def _sc_segment_sums(x, src1d, dst1d, z_acc, n_pad):
    n, d = x.shape
    nw = _NCORE * _NSUB
    epw = src1d.shape[0] // nw
    ngroups = epw // (_GB * _CH)
    stripe = n_pad // _NSUB
    ch2 = 2 * _CH
    g2 = 25
    ng2 = epw // (g2 * ch2)

    src4d = src1d.reshape(nw, ngroups, _GB, _CH)
    dst4d = dst1d.reshape(nw, ngroups, _GB, _CH)
    dst4d2 = dst1d.reshape(nw, ng2, g2, ch2)

    mesh = plsc.VectorSubcoreMesh(core_axis_name="c", subcore_axis_name="s")

    @functools.partial(
        pl.kernel,
        out_type=[
            jax.ShapeDtypeStruct((_NCORE, n_pad, d), jnp.float32),
            jax.ShapeDtypeStruct((_NCORE, n_pad, d), jnp.float32),
        ],
        mesh=mesh,
        scratch_types=[
            pltpu.VMEM((2, _GB, _CH), jnp.int32),
            pltpu.VMEM((g2, ch2), jnp.int32),
            pltpu.VMEM((2 * _CH, d), jnp.float32),
            pltpu.VMEM_SHARED((n_pad, d), jnp.float32),
            pltpu.SemaphoreType.DMA,
            pltpu.SemaphoreType.DMA,
        ],
    )
    def seg(x_hbm, src_hbm, dst_hbm, dst2_hbm, zacc_hbm, ones_hbm,
            s_hbm, c_hbm, idxv, dstv2, rowsb, acc, sem0, sem1):
        cid = lax.axis_index("c")
        sid = lax.axis_index("s")
        wid = cid * _NSUB + sid
        r0 = sid * stripe

        pltpu.sync_copy(zacc_hbm, acc.at[pl.ds(r0, stripe)])
        plsc.subcore_barrier()

        srcv = idxv.at[0]
        dstv = idxv.at[1]
        rows0 = rowsb.at[pl.ds(0, _CH)]
        rows1 = rowsb.at[pl.ds(_CH, _CH)]

        @pl.loop(0, ngroups)
        def _(g):
            pltpu.sync_copy(src_hbm.at[wid, g], srcv)
            pltpu.sync_copy(dst_hbm.at[wid, g], dstv)

            @pl.loop(0, _GB // 2)
            def _(t):
                j0 = 2 * t
                j1 = 2 * t + 1
                cp0 = pltpu.async_copy(x_hbm.at[srcv.at[j0]], rows0, sem0)
                cp1 = pltpu.async_copy(x_hbm.at[srcv.at[j1]], rows1, sem1)
                cp0.wait()
                pltpu.sync_copy(rows0, acc.at[dstv.at[j0]], add=True)
                cp1.wait()
                pltpu.sync_copy(rows1, acc.at[dstv.at[j1]], add=True)

        plsc.subcore_barrier()
        pltpu.sync_copy(acc.at[pl.ds(r0, stripe)], s_hbm.at[cid, pl.ds(r0, stripe)])

        pltpu.sync_copy(zacc_hbm, acc.at[pl.ds(r0, stripe)])
        pltpu.sync_copy(ones_hbm, rowsb)
        plsc.subcore_barrier()

        @pl.loop(0, ng2)
        def _(g):
            pltpu.sync_copy(dst2_hbm.at[wid, g], dstv2)

            @pl.loop(0, g2)
            def _(k):
                pltpu.sync_copy(rowsb, acc.at[dstv2.at[k]], add=True)

        plsc.subcore_barrier()
        pltpu.sync_copy(acc.at[pl.ds(r0, stripe)], c_hbm.at[cid, pl.ds(r0, stripe)])

    ones_rows = jnp.ones((ch2, d), jnp.float32)
    return seg(x, src4d, dst4d, dst4d2, z_acc, ones_rows)


def _combine_body(x_ref, s0_ref, s1_ref, c0_ref, c1_ref,
                  w0_ref, w1_ref, ws_ref, wn_ref,
                  b0_ref, b1_ref, bc_ref, o_ref):
    c0 = c0_ref[0, :, 0:1]
    c1 = c1_ref[0, :, 0:1]
    m0 = s0_ref[0] / jnp.maximum(c0, 1.0)
    m1 = s1_ref[0] / jnp.maximum(c1, 1.0)
    e0 = (c0 > 0.0).astype(jnp.float32)
    e1 = (c1 > 0.0).astype(jnp.float32)
    h = (jnp.dot(m0, w0_ref[...], preferred_element_type=jnp.float32)
         + jnp.dot(m1, w1_ref[...], preferred_element_type=jnp.float32)
         + e0 * b0_ref[...] + e1 * b1_ref[...])
    o_ref[...] = (jnp.dot(x_ref[...], ws_ref[...], preferred_element_type=jnp.float32)
                  + jnp.dot(h, wn_ref[...], preferred_element_type=jnp.float32)
                  + bc_ref[...])


def _combine(x, s, c, w0, w1, ws, wn, b0r, b1r, bcr):
    n, d = x.shape
    bn_rows = 1000
    nb = n // bn_rows
    full = pl.BlockSpec((d, d), lambda i: (0, 0))
    brow = pl.BlockSpec((1, d), lambda i: (0, 0))
    return pl.pallas_call(
        _combine_body,
        grid=(nb,),
        in_specs=[
            pl.BlockSpec((bn_rows, d), lambda i: (i, 0)),
            pl.BlockSpec((1, bn_rows, d), lambda i: (0, i, 0)),
            pl.BlockSpec((1, bn_rows, d), lambda i: (1, i, 0)),
            pl.BlockSpec((1, bn_rows, d), lambda i: (0, i, 0)),
            pl.BlockSpec((1, bn_rows, d), lambda i: (1, i, 0)),
            full, full, full, full,
            brow, brow, brow,
        ],
        out_specs=pl.BlockSpec((bn_rows, d), lambda i: (i, 0)),
        out_shape=jax.ShapeDtypeStruct((n, d), jnp.float32),
    )(x, s, s, c, c, w0, w1, ws, wn, b0r, b1r, bcr)


def kernel(x, edge_index_rel0, edge_index_rel1, W_rel0, b_rel0, W_rel1, b_rel1,
           W_self, b_self, W_neigh, b_neigh):
    n, d = x.shape
    src1d = jnp.concatenate(
        [edge_index_rel0[0], edge_index_rel1[0]]).astype(jnp.int32)
    dst1d = jnp.concatenate(
        [edge_index_rel0[1], edge_index_rel1[1]]).astype(jnp.int32)
    n_pad = ((n + 64 * _NSUB - 1) // (64 * _NSUB)) * (64 * _NSUB)
    stripe = n_pad // _NSUB
    z_acc = jnp.zeros((stripe, d), jnp.float32)
    s, c = _sc_segment_sums(x, src1d, dst1d, z_acc, n_pad)
    b0r = b_rel0.reshape(1, d)
    b1r = b_rel1.reshape(1, d)
    bcr = (b_self + b_neigh).reshape(1, d)
    return _combine(x, s, c, W_rel0, W_rel1, W_self, W_neigh, b0r, b1r, bcr)

# --- scband reference (transcript-rebuilt; emitter-appended) ---
"""Pipeline reference for scband-hetero-gnnlayer-33844342292925 (READ-ONLY COPY).

The authoritative reference and input builder live on the scoring server;
editing this copy changes nothing except your own understanding.
"""

import jax, jax.numpy as jnp
import numpy as np

N = 10000
E = 160000
D = 128


def _xavier_uniform(key, fan_in, fan_out, gain):
    limit = gain * np.sqrt(6.0 / (fan_in + fan_out))
    return jax.random.uniform(key, (fan_in, fan_out), dtype=jnp.float32, minval=-limit, maxval=limit)


def setup_inputs(seed: int = 0) -> dict:
    key = jax.random.key(seed)
    ks = jax.random.split(key, 16)
    gain = float(np.sqrt(2.0))  # calculate_gain('relu')
    x = jax.random.normal(ks[0], (N, D), dtype=jnp.float32)
    edge_index_rel0 = jax.random.randint(ks[1], (2, E), 0, N, dtype=jnp.int64)
    edge_index_rel1 = jax.random.randint(ks[2], (2, E), 0, N, dtype=jnp.int64)
    # fc_trans per etype (Linear in_size->out_size), stored as (in, out) for x @ W
    W_rel0 = _xavier_uniform(ks[3], D, D, gain)
    b_rel0 = jnp.zeros((D,), jnp.float32)
    W_rel1 = _xavier_uniform(ks[4], D, D, gain)
    b_rel1 = jnp.zeros((D,), jnp.float32)
    W_self = _xavier_uniform(ks[5], D, D, gain)
    b_self = jnp.zeros((D,), jnp.float32)
    W_neigh = _xavier_uniform(ks[6], D, D, gain)
    b_neigh = jnp.zeros((D,), jnp.float32)
    return {
        'x': x,
        'edge_index_rel0': edge_index_rel0,
        'edge_index_rel1': edge_index_rel1,
        'W_rel0': W_rel0, 'b_rel0': b_rel0,
        'W_rel1': W_rel1, 'b_rel1': b_rel1,
        'W_self': W_self, 'b_self': b_self,
        'W_neigh': W_neigh, 'b_neigh': b_neigh,
    }


def _mean_aggregate(msg, dst, num_nodes):
    # DGL fn.mean: mean of incoming messages; nodes with no in-edges get 0
    s = jax.ops.segment_sum(msg, dst, num_segments=num_nodes)
    cnt = jax.ops.segment_sum(jnp.ones((dst.shape[0],), jnp.float32), dst, num_segments=num_nodes)
    return s / jnp.clip(cnt, 1.0, None)[:, None]


def reference(x, edge_index_rel0, edge_index_rel1, W_rel0, b_rel0, W_rel1, b_rel1, W_self, b_self, W_neigh, b_neigh):
    num_nodes = x.shape[0]
    h_neigh = jnp.zeros_like(x)
    for ei, W, b in ((edge_index_rel0, W_rel0, b_rel0), (edge_index_rel1, W_rel1, b_rel1)):
        Wh = x @ W + b                 # fc_trans[etype]
        msg = Wh[ei[0]]                # copy_u gather over src
        h_neigh = h_neigh + _mean_aggregate(msg, ei[1], num_nodes)  # per-etype mean, relation_reducer='sum'
    # rst = fc_self(h_self) + fc_neigh(h_neigh); activation=None, norm=None
    rst = (x @ W_self + b_self) + (h_neigh @ W_neigh + b_neigh)
    return rst

if __name__ == "__main__":
    import jax
    _d = setup_inputs()
    print(jax.jit(kernel)(*tuple(_d.values())))

</pallas_src>

<mosaic_0001>
#map = affine_map<(d0, d1) -> (0, 0)>
#map1 = affine_map<(d0, d1) -> (0, 0, 0, 0)>
#map2 = affine_map<(d0, d1) -> (0, 0, 0)>
module attributes {stable_mosaic.version = 14 : i64} {
  func.func @seg(%arg0: i32, %arg1: i32, %arg2: memref<10000x128xf32, #tpu.memory_space<hbm>>, %arg3: memref<32x25x10x40xi32, #tpu.memory_space<hbm>>, %arg4: memref<32x25x10x40xi32, #tpu.memory_space<hbm>>, %arg5: memref<32x5x25x80xi32, #tpu.memory_space<hbm>>, %arg6: memref<640x128xf32, #tpu.memory_space<hbm>>, %arg7: memref<80x128xf32, #tpu.memory_space<hbm>>, %arg8: memref<2x10240x128xf32, #tpu.memory_space<hbm>>, %arg9: memref<2x10240x128xf32, #tpu.memory_space<hbm>>, %arg10: memref<2x10x40xi32, #tpu.memory_space<vmem>>, %arg11: memref<25x80xi32, #tpu.memory_space<vmem>>, %arg12: memref<80x128xf32, #tpu.memory_space<vmem>>, %arg13: memref<10240x128xf32, #tpu.memory_space<vmem_shared>>, %arg14: memref<!tpu.dma_semaphore, #tpu.memory_space<semaphore_mem>>, %arg15: memref<!tpu.dma_semaphore, #tpu.memory_space<semaphore_mem>>) attributes {dimension_semantics = [#tpu.dimension_semantics<core_parallel>, #tpu.dimension_semantics<subcore_parallel>], iteration_bounds = array<i64: 2, 16>, scalar_prefetch = 0 : i64, scratch_operands = 6 : i64, tpu.core_type = #tpu.core_type<sc_vector_subcore>, window_params = [{transform_indices = #map}, {transform_indices = #map1}, {transform_indices = #map1}, {transform_indices = #map1}, {transform_indices = #map}, {transform_indices = #map}, {transform_indices = #map2}, {transform_indices = #map2}]} {
    %mul3A = arith.constant 16 : i32
    %mul3A_0 = arith.muli %arg0, %mul3A : i32
    %add3A = arith.addi %mul3A_0, %arg1 : i32
    %mul3A_1 = arith.constant 640 : i32
    %mul3A_2 = arith.muli %arg1, %mul3A_1 : i32
    "tpu.region"() ({
      %run_scoped3A = tpu.sem_alloc : memref<!tpu.dma_semaphore, #tpu.memory_space<semaphore_mem>>
      %dma_start3A = arith.constant 0 : i32
      %dma_start3A_17 = tpu.memref_slice %arg13[%mul3A_2, %dma_start3A] : memref<10240x128xf32, #tpu.memory_space<vmem_shared>> -> memref<640x128xf32, #tpu.memory_space<vmem_shared>>
      tpu.enqueue_dma source(%arg6 : memref<640x128xf32, #tpu.memory_space<hbm>>) target(%dma_start3A_17 : memref<640x128xf32, #tpu.memory_space<vmem_shared>>) target_semaphore(%run_scoped3A : memref<!tpu.dma_semaphore, #tpu.memory_space<semaphore_mem>>)
      %dma_wait3A = arith.constant 0 : i32
      %dma_wait3A_18 = tpu.memref_slice %arg13[%mul3A_2, %dma_wait3A] : memref<10240x128xf32, #tpu.memory_space<vmem_shared>> -> memref<640x128xf32, #tpu.memory_space<vmem_shared>>
      tpu.wait_dma2 semaphore(%run_scoped3A : memref<!tpu.dma_semaphore, #tpu.memory_space<semaphore_mem>>) src(%arg6 : memref<640x128xf32, #tpu.memory_space<hbm>>) dst(%dma_wait3A_18 : memref<640x128xf32, #tpu.memory_space<vmem_shared>>)
      tpu.yield
    }) : () -> ()
    %barrier3A = arith.constant 0 : index
    tpu.barrier barrier_id(%barrier3A)
    %scan3A = arith.constant 0 : i32
    %scan3A_3 = arith.constant 1 : i32
    %scan3A_4 = arith.constant 0 : i32
    %scan3A_5 = arith.constant 25 : i32
    %scan3A_6 = arith.addi %scan3A_4, %scan3A_5 : i32
    %scan3A_7 = arith.constant 1 : i32
    scf.for %scan3A_17 = %scan3A_4 to %scan3A_6 step %scan3A_7  : i32 {
      %mul3A_18 = arith.constant 1 : i32
      %mul3A_19 = arith.muli %scan3A_17, %mul3A_18 : i32
      %add3A_20 = arith.constant 0 : i32
      %add3A_21 = arith.addi %add3A_20, %mul3A_19 : i32
      "tpu.region"() ({
        %run_scoped3A = tpu.sem_alloc : memref<!tpu.dma_semaphore, #tpu.memory_space<semaphore_mem>>
        %dma_start3A = arith.constant 0 : i32
        %dma_start3A_27 = arith.constant 0 : i32
        %dma_start3A_28 = tpu.memref_slice %arg10[%scan3A, %dma_start3A, %dma_start3A_27] : memref<2x10x40xi32, #tpu.memory_space<vmem>> -> memref<1x10x40xi32, #tpu.memory_space<vmem>>
        %dma_start3A_29 = tpu.memref_squeeze %dma_start3A_28 : memref<1x10x40xi32, #tpu.memory_space<vmem>> -> memref<10x40xi32, #tpu.memory_space<vmem>>
        %dma_start3A_30 = arith.constant 0 : i32
        %dma_start3A_31 = arith.constant 0 : i32
        %dma_start3A_32 = tpu.memref_slice %arg3[%add3A, %add3A_21, %dma_start3A_30, %dma_start3A_31] : memref<32x25x10x40xi32, #tpu.memory_space<hbm>> -> memref<1x1x10x40xi32, #tpu.memory_space<hbm>>
        %dma_start3A_33 = tpu.memref_squeeze %dma_start3A_32 : memref<1x1x10x40xi32, #tpu.memory_space<hbm>> -> memref<10x40xi32, #tpu.memory_space<hbm>>
        %dma_start3A_34 = arith.constant 0 : i32
        %dma_start3A_35 = arith.constant 0 : i32
        %dma_start3A_36 = tpu.memref_slice %arg10[%scan3A, %dma_start3A_34, %dma_start3A_35] : memref<2x10x40xi32, #tpu.memory_space<vmem>> -> memref<1x10x40xi32, #tpu.memory_space<vmem>>
        %dma_start3A_37 = tpu.memref_squeeze %dma_start3A_36 : memref<1x10x40xi32, #tpu.memory_space<vmem>> -> memref<10x40xi32, #tpu.memory_space<vmem>>
        %dma_start3A_38 = arith.constant 0 : i32
        %dma_start3A_39 = arith.constant 0 : i32
        %dma_start3A_40 = tpu.memref_slice %arg3[%add3A, %add3A_21, %dma_start3A_38, %dma_start3A_39] : memref<32x25x10x40xi32, #tpu.memory_space<hbm>> -> memref<1x1x10x40xi32, #tpu.memory_space<hbm>>
        %dma_start3A_41 = tpu.memref_squeeze %dma_start3A_40 : memref<1x1x10x40xi32, #tpu.memory_space<hbm>> -> memref<10x40xi32, #tpu.memory_space<hbm>>
        tpu.enqueue_dma source(%dma_start3A_41 : memref<10x40xi32, #tpu.memory_space<hbm>>) target(%dma_start3A_37 : memref<10x40xi32, #tpu.memory_space<vmem>>) target_semaphore(%run_scoped3A : memref<!tpu.dma_semaphore, #tpu.memory_space<semaphore_mem>>)
        %dma_wait3A = arith.constant 0 : i32
        %dma_wait3A_42 = arith.constant 0 : i32
        %dma_wait3A_43 = tpu.memref_slice %arg10[%scan3A, %dma_wait3A, %dma_wait3A_42] : memref<2x10x40xi32, #tpu.memory_space<vmem>> -> memref<1x10x40xi32, #tpu.memory_space<vmem>>
        %dma_wait3A_44 = tpu.memref_squeeze %dma_wait3A_43 : memref<1x10x40xi32, #tpu.memory_space<vmem>> -> memref<10x40xi32, #tpu.memory_space<vmem>>
        %dma_wait3A_45 = arith.constant 0 : i32
        %dma_wait3A_46 = arith.constant 0 : i32
        %dma_wait3A_47 = tpu.memref_slice %arg3[%add3A, %add3A_21, %dma_wait3A_45, %dma_wait3A_46] : memref<32x25x10x40xi32, #tpu.memory_space<hbm>> -> memref<1x1x10x40xi32, #tpu.memory_space<hbm>>
        %dma_wait3A_48 = tpu.memref_squeeze %dma_wait3A_47 : memref<1x1x10x40xi32, #tpu.memory_space<hbm>> -> memref<10x40xi32, #tpu.memory_space<hbm>>
        %dma_wait3A_49 = arith.constant 0 : i32
        %dma_wait3A_50 = arith.constant 0 : i32
        %dma_wait3A_51 = tpu.memref_slice %arg10[%scan3A, %dma_wait3A_49, %dma_wait3A_50] : memref<2x10x40xi32, #tpu.memory_space<vmem>> -> memref<1x10x40xi32, #tpu.memory_space<vmem>>
        %dma_wait3A_52 = tpu.memref_squeeze %dma_wait3A_51 : memref<1x10x40xi32, #tpu.memory_space<vmem>> -> memref<10x40xi32, #tpu.memory_space<vmem>>
        %dma_wait3A_53 = arith.constant 0 : i32
        %dma_wait3A_54 = arith.constant 0 : i32
        %dma_wait3A_55 = tpu.memref_slice %arg3[%add3A, %add3A_21, %dma_wait3A_53, %dma_wait3A_54] : memref<32x25x10x40xi32, #tpu.memory_space<hbm>> -> memref<1x1x10x40xi32, #tpu.memory_space<hbm>>
        %dma_wait3A_56 = tpu.memref_squeeze %dma_wait3A_55 : memref<1x1x10x40xi32, #tpu.memory_space<hbm>> -> memref<10x40xi32, #tpu.memory_space<hbm>>
        tpu.wait_dma2 semaphore(%run_scoped3A : memref<!tpu.dma_semaphore, #tpu.memory_space<semaphore_mem>>) src(%dma_wait3A_56 : memref<10x40xi32, #tpu.memory_space<hbm>>) dst(%dma_wait3A_52 : memref<10x40xi32, #tpu.memory_space<vmem>>)
        tpu.yield
      }) : () -> ()
      "tpu.region"() ({
        %run_scoped3A = tpu.sem_alloc : memref<!tpu.dma_semaphore, #tpu.memory_space<semaphore_mem>>
        %dma_start3A = arith.constant 0 : i32
        %dma_start3A_27 = arith.constant 0 : i32
        %dma_start3A_28 = tpu.memref_slice %arg10[%scan3A_3, %dma_start3A, %dma_start3A_27] : memref<2x10x40xi32, #tpu.memory_space<vmem>> -> memref<1x10x40xi32, #tpu.memory_space<vmem>>
        %dma_start3A_29 = tpu.memref_squeeze %dma_start3A_28 : memref<1x10x40xi32, #tpu.memory_space<vmem>> -> memref<10x40xi32, #tpu.memory_space<vmem>>
        %dma_start3A_30 = arith.constant 0 : i32
        %dma_start3A_31 = arith.constant 0 : i32
        %dma_start3A_32 = tpu.memref_slice %arg4[%add3A, %add3A_21, %dma_start3A_30, %dma_start3A_31] : memref<32x25x10x40xi32, #tpu.memory_space<hbm>> -> memref<1x1x10x40xi32, #tpu.memory_space<hbm>>
        %dma_start3A_33 = tpu.memref_squeeze %dma_start3A_32 : memref<1x1x10x40xi32, #tpu.memory_space<hbm>> -> memref<10x40xi32, #tpu.memory_space<hbm>>
        %dma_start3A_34 = arith.constant 0 : i32
        %dma_start3A_35 = arith.constant 0 : i32
        %dma_start3A_36 = tpu.memref_slice %arg10[%scan3A_3, %dma_start3A_34, %dma_start3A_35] : memref<2x10x40xi32, #tpu.memory_space<vmem>> -> memref<1x10x40xi32, #tpu.memory_space<vmem>>
        %dma_start3A_37 = tpu.memref_squeeze %dma_start3A_36 : memref<1x10x40xi32, #tpu.memory_space<vmem>> -> memref<10x40xi32, #tpu.memory_space<vmem>>
        %dma_start3A_38 = arith.constant 0 : i32
        %dma_start3A_39 = arith.constant 0 : i32
        %dma_start3A_40 = tpu.memref_slice %arg4[%add3A, %add3A_21, %dma_start3A_38, %dma_start3A_39] : memref<32x25x10x40xi32, #tpu.memory_space<hbm>> -> memref<1x1x10x40xi32, #tpu.memory_space<hbm>>
        %dma_start3A_41 = tpu.memref_squeeze %dma_start3A_40 : memref<1x1x10x40xi32, #tpu.memory_space<hbm>> -> memref<10x40xi32, #tpu.memory_space<hbm>>
        tpu.enqueue_dma source(%dma_start3A_41 : memref<10x40xi32, #tpu.memory_space<hbm>>) target(%dma_start3A_37 : memref<10x40xi32, #tpu.memory_space<vmem>>) target_semaphore(%run_scoped3A : memref<!tpu.dma_semaphore, #tpu.memory_space<semaphore_mem>>)
        %dma_wait3A = arith.constant 0 : i32
        %dma_wait3A_42 = arith.constant 0 : i32
        %dma_wait3A_43 = tpu.memref_slice %arg10[%scan3A_3, %dma_wait3A, %dma_wait3A_42] : memref<2x10x40xi32, #tpu.memory_space<vmem>> -> memref<1x10x40xi32, #tpu.memory_space<vmem>>
        %dma_wait3A_44 = tpu.memref_squeeze %dma_wait3A_43 : memref<1x10x40xi32, #tpu.memory_space<vmem>> -> memref<10x40xi32, #tpu.memory_space<vmem>>
        %dma_wait3A_45 = arith.constant 0 : i32
        %dma_wait3A_46 = arith.constant 0 : i32
        %dma_wait3A_47 = tpu.memref_slice %arg4[%add3A, %add3A_21, %dma_wait3A_45, %dma_wait3A_46] : memref<32x25x10x40xi32, #tpu.memory_space<hbm>> -> memref<1x1x10x40xi32, #tpu.memory_space<hbm>>
        %dma_wait3A_48 = tpu.memref_squeeze %dma_wait3A_47 : memref<1x1x10x40xi32, #tpu.memory_space<hbm>> -> memref<10x40xi32, #tpu.memory_space<hbm>>
        %dma_wait3A_49 = arith.constant 0 : i32
        %dma_wait3A_50 = arith.constant 0 : i32
        %dma_wait3A_51 = tpu.memref_slice %arg10[%scan3A_3, %dma_wait3A_49, %dma_wait3A_50] : memref<2x10x40xi32, #tpu.memory_space<vmem>> -> memref<1x10x40xi32, #tpu.memory_space<vmem>>
        %dma_wait3A_52 = tpu.memref_squeeze %dma_wait3A_51 : memref<1x10x40xi32, #tpu.memory_space<vmem>> -> memref<10x40xi32, #tpu.memory_space<vmem>>
        %dma_wait3A_53 = arith.constant 0 : i32
        %dma_wait3A_54 = arith.constant 0 : i32
        %dma_wait3A_55 = tpu.memref_slice %arg4[%add3A, %add3A_21, %dma_wait3A_53, %dma_wait3A_54] : memref<32x25x10x40xi32, #tpu.memory_space<hbm>> -> memref<1x1x10x40xi32, #tpu.memory_space<hbm>>
        %dma_wait3A_56 = tpu.memref_squeeze %dma_wait3A_55 : memref<1x1x10x40xi32, #tpu.memory_space<hbm>> -> memref<10x40xi32, #tpu.memory_space<hbm>>
        tpu.wait_dma2 semaphore(%run_scoped3A : memref<!tpu.dma_semaphore, #tpu.memory_space<semaphore_mem>>) src(%dma_wait3A_56 : memref<10x40xi32, #tpu.memory_space<hbm>>) dst(%dma_wait3A_52 : memref<10x40xi32, #tpu.memory_space<vmem>>)
        tpu.yield
      }) : () -> ()
      %scan3A_22 = arith.constant 0 : i32
      %scan3A_23 = arith.constant 5 : i32
      %scan3A_24 = arith.addi %scan3A_22, %scan3A_23 : i32
      %scan3A_25 = arith.constant 1 : i32
      scf.for %scan3A_27 = %scan3A_22 to %scan3A_24 step %scan3A_25  : i32 {
        %mul3A_28 = arith.constant 1 : i32
        %mul3A_29 = arith.muli %scan3A_27, %mul3A_28 : i32
        %add3A_30 = arith.constant 0 : i32
        %add3A_31 = arith.addi %add3A_30, %mul3A_29 : i32
        %mul3A_32 = arith.constant 2 : i32
        %mul3A_33 = arith.muli %mul3A_32, %add3A_31 : i32
        %mul3A_34 = arith.constant 2 : i32
        %mul3A_35 = arith.muli %mul3A_34, %add3A_31 : i32
        %add3A_36 = arith.constant 1 : i32
        %add3A_37 = arith.addi %mul3A_35, %add3A_36 : i32
        %dma_start3A = arith.constant 0 : i32
        %dma_start3A_38 = arith.constant 0 : i32
        %dma_start3A_39 = tpu.memref_slice %arg12[%dma_start3A, %dma_start3A_38] : memref<80x128xf32, #tpu.memory_space<vmem>> -> memref<40x128xf32, #tpu.memory_space<vmem>>
        %dma_start3A_40 = arith.constant 0 : i32
        %dma_start3A_41 = arith.constant 0 : i32
        %dma_start3A_42 = tpu.memref_slice %arg10[%scan3A, %dma_start3A_40, %dma_start3A_41] : memref<2x10x40xi32, #tpu.memory_space<vmem>> -> memref<1x10x40xi32, #tpu.memory_space<vmem>>
        %dma_start3A_43 = tpu.memref_squeeze %dma_start3A_42 : memref<1x10x40xi32, #tpu.memory_space<vmem>> -> memref<10x40xi32, #tpu.memory_space<vmem>>
        %dma_start3A_44 = arith.constant 0 : i32
        %dma_start3A_45 = tpu.memref_slice %dma_start3A_43[%mul3A_33, %dma_start3A_44] : memref<10x40xi32, #tpu.memory_space<vmem>> -> memref<1x40xi32, #tpu.memory_space<vmem>>
        %dma_start3A_46 = tpu.memref_squeeze %dma_start3A_45 : memref<1x40xi32, #tpu.memory_space<vmem>> -> memref<40xi32, #tpu.memory_space<vmem>>
        %dma_start3A_47 = arith.constant 0 : i32
        %dma_start3A_48 = arith.constant 0 : i32
        %dma_start3A_49 = tpu.memref_slice %arg2[%dma_start3A_47, %dma_start3A_48] : memref<10000x128xf32, #tpu.memory_space<hbm>> -> memref<10000x128xf32, #tpu.memory_space<hbm>>
        tpu.enqueue_indirect_dma source(%dma_start3A_49 : memref<10000x128xf32, #tpu.memory_space<hbm>>) target(%dma_start3A_39 : memref<40x128xf32, #tpu.memory_space<vmem>>) offsets(%dma_start3A_46 : memref<40xi32, #tpu.memory_space<vmem>>) semaphore(%arg14 : memref<!tpu.dma_semaphore, #tpu.memory_space<semaphore_mem>>)
        %dma_start3A_50 = arith.constant 40 : i32
        %dma_start3A_51 = arith.constant 0 : i32
        %dma_start3A_52 = tpu.memref_slice %arg12[%dma_start3A_50, %dma_start3A_51] : memref<80x128xf32, #tpu.memory_space<vmem>> -> memref<40x128xf32, #tpu.memory_space<vmem>>
        %dma_start3A_53 = arith.constant 0 : i32
        %dma_start3A_54 = arith.constant 0 : i32
        %dma_start3A_55 = tpu.memref_slice %arg10[%scan3A, %dma_start3A_53, %dma_start3A_54] : memref<2x10x40xi32, #tpu.memory_space<vmem>> -> memref<1x10x40xi32, #tpu.memory_space<vmem>>
        %dma_start3A_56 = tpu.memref_squeeze %dma_start3A_55 : memref<1x10x40xi32, #tpu.memory_space<vmem>> -> memref<10x40xi32, #tpu.memory_space<vmem>>
        %dma_start3A_57 = arith.constant 0 : i32
        %dma_start3A_58 = tpu.memref_slice %dma_start3A_56[%add3A_37, %dma_start3A_57] : memref<10x40xi32, #tpu.memory_space<vmem>> -> memref<1x40xi32, #tpu.memory_space<vmem>>
        %dma_start3A_59 = tpu.memref_squeeze %dma_start3A_58 : memref<1x40xi32, #tpu.memory_space<vmem>> -> memref<40xi32, #tpu.memory_space<vmem>>
        %dma_start3A_60 = arith.constant 0 : i32
        %dma_start3A_61 = arith.constant 0 : i32
        %dma_start3A_62 = tpu.memref_slice %arg2[%dma_start3A_60, %dma_start3A_61] : memref<10000x128xf32, #tpu.memory_space<hbm>> -> memref<10000x128xf32, #tpu.memory_space<hbm>>
        tpu.enqueue_indirect_dma source(%dma_start3A_62 : memref<10000x128xf32, #tpu.memory_space<hbm>>) target(%dma_start3A_52 : memref<40x128xf32, #tpu.memory_space<vmem>>) offsets(%dma_start3A_59 : memref<40xi32, #tpu.memory_space<vmem>>) semaphore(%arg15 : memref<!tpu.dma_semaphore, #tpu.memory_space<semaphore_mem>>)
        %dma_wait3A = arith.constant 0 : i32
        %dma_wait3A_63 = arith.constant 0 : i32
        %dma_wait3A_64 = tpu.memref_slice %arg12[%dma_wait3A, %dma_wait3A_63] : memref<80x128xf32, #tpu.memory_space<vmem>> -> memref<40x128xf32, #tpu.memory_space<vmem>>
        %dma_wait3A_65 = arith.constant 0 : i32
        %dma_wait3A_66 = arith.constant 0 : i32
        %dma_wait3A_67 = tpu.memref_slice %arg10[%scan3A, %dma_wait3A_65, %dma_wait3A_66] : memref<2x10x40xi32, #tpu.memory_space<vmem>> -> memref<1x10x40xi32, #tpu.memory_space<vmem>>
        %dma_wait3A_68 = tpu.memref_squeeze %dma_wait3A_67 : memref<1x10x40xi32, #tpu.memory_space<vmem>> -> memref<10x40xi32, #tpu.memory_space<vmem>>
        %dma_wait3A_69 = arith.constant 0 : i32
        %dma_wait3A_70 = tpu.memref_slice %dma_wait3A_68[%mul3A_33, %dma_wait3A_69] : memref<10x40xi32, #tpu.memory_space<vmem>> -> memref<1x40xi32, #tpu.memory_space<vmem>>
        %dma_wait3A_71 = tpu.memref_squeeze %dma_wait3A_70 : memref<1x40xi32, #tpu.memory_space<vmem>> -> memref<40xi32, #tpu.memory_space<vmem>>
        %dma_wait3A_72 = arith.constant 0 : i32
        %dma_wait3A_73 = arith.constant 0 : i32
        %dma_wait3A_74 = tpu.memref_slice %arg2[%dma_wait3A_72, %dma_wait3A_73] : memref<10000x128xf32, #tpu.memory_space<hbm>> -> memref<10000x128xf32, #tpu.memory_space<hbm>>
        tpu.wait_indirect_dma semaphore(%arg14 : memref<!tpu.dma_semaphore, #tpu.memory_space<semaphore_mem>>) src(%dma_wait3A_74 : memref<10000x128xf32, #tpu.memory_space<hbm>>) dst(%dma_wait3A_64 : memref<40x128xf32, #tpu.memory_space<vmem>>)
        "tpu.region"() ({
          %run_scoped3A = tpu.sem_alloc : memref<!tpu.dma_semaphore, #tpu.memory_space<semaphore_mem>>
          %dma_start3A_88 = arith.constant 0 : i32
          %dma_start3A_89 = arith.constant 0 : i32
          %dma_start3A_90 = tpu.memref_slice %arg12[%dma_start3A_88, %dma_start3A_89] : memref<80x128xf32, #tpu.memory_space<vmem>> -> memref<40x128xf32, #tpu.memory_space<vmem>>
          %dma_start3A_91 = arith.constant 0 : i32
          %dma_start3A_92 = arith.constant 0 : i32
          %dma_start3A_93 = tpu.memref_slice %arg10[%scan3A_3, %dma_start3A_91, %dma_start3A_92] : memref<2x10x40xi32, #tpu.memory_space<vmem>> -> memref<1x10x40xi32, #tpu.memory_space<vmem>>
          %dma_start3A_94 = tpu.memref_squeeze %dma_start3A_93 : memref<1x10x40xi32, #tpu.memory_space<vmem>> -> memref<10x40xi32, #tpu.memory_space<vmem>>
          %dma_start3A_95 = arith.constant 0 : i32
          %dma_start3A_96 = tpu.memref_slice %dma_start3A_94[%mul3A_33, %dma_start3A_95] : memref<10x40xi32, #tpu.memory_space<vmem>> -> memref<1x40xi32, #tpu.memory_space<vmem>>
          %dma_start3A_97 = tpu.memref_squeeze %dma_start3A_96 : memref<1x40xi32, #tpu.memory_space<vmem>> -> memref<40xi32, #tpu.memory_space<vmem>>
          %dma_start3A_98 = arith.constant 0 : i32
          %dma_start3A_99 = arith.constant 0 : i32
          %dma_start3A_100 = tpu.memref_slice %arg13[%dma_start3A_98, %dma_start3A_99] : memref<10240x128xf32, #tpu.memory_space<vmem_shared>> -> memref<10240x128xf32, #tpu.memory_space<vmem_shared>>
          tpu.enqueue_indirect_dma source(%dma_start3A_90 : memref<40x128xf32, #tpu.memory_space<vmem>>) target(%dma_start3A_100 : memref<10240x128xf32, #tpu.memory_space<vmem_shared>>) offsets(%dma_start3A_97 : memref<40xi32, #tpu.memory_space<vmem>>) semaphore(%run_scoped3A : memref<!tpu.dma_semaphore, #tpu.memory_space<semaphore_mem>>) {add = true}
          %dma_wait3A_101 = arith.constant 0 : i32
          %dma_wait3A_102 = arith.constant 0 : i32
          %dma_wait3A_103 = tpu.memref_slice %arg12[%dma_wait3A_101, %dma_wait3A_102] : memref<80x128xf32, #tpu.memory_space<vmem>> -> memref<40x128xf32, #tpu.memory_space<vmem>>
          %dma_wait3A_104 = arith.constant 0 : i32
          %dma_wait3A_105 = arith.constant 0 : i32
          %dma_wait3A_106 = tpu.memref_slice %arg10[%scan3A_3, %dma_wait3A_104, %dma_wait3A_105] : memref<2x10x40xi32, #tpu.memory_space<vmem>> -> memref<1x10x40xi32, #tpu.memory_space<vmem>>
          %dma_wait3A_107 = tpu.memref_squeeze %dma_wait3A_106 : memref<1x10x40xi32, #tpu.memory_space<vmem>> -> memref<10x40xi32, #tpu.memory_space<vmem>>
          %dma_wait3A_108 = arith.constant 0 : i32
          %dma_wait3A_109 = tpu.memref_slice %dma_wait3A_107[%mul3A_33, %dma_wait3A_108] : memref<10x40xi32, #tpu.memory_space<vmem>> -> memref<1x40xi32, #tpu.memory_space<vmem>>
          %dma_wait3A_110 = tpu.memref_squeeze %dma_wait3A_109 : memref<1x40xi32, #tpu.memory_space<vmem>> -> memref<40xi32, #tpu.memory_space<vmem>>
          %dma_wait3A_111 = arith.constant 0 : i32
          %dma_wait3A_112 = arith.constant 0 : i32
          %dma_wait3A_113 = tpu.memref_slice %arg13[%dma_wait3A_111, %dma_wait3A_112] : memref<10240x128xf32, #tpu.memory_space<vmem_shared>> -> memref<10240x128xf32, #tpu.memory_space<vmem_shared>>
          tpu.wait_indirect_dma semaphore(%run_scoped3A : memref<!tpu.dma_semaphore, #tpu.memory_space<semaphore_mem>>) src(%dma_wait3A_103 : memref<40x128xf32, #tpu.memory_space<vmem>>) dst(%dma_wait3A_113 : memref<10240x128xf32, #tpu.memory_space<vmem_shared>>)
          tpu.yield
        }) : () -> ()
        %dma_wait3A_75 = arith.constant 40 : i32
        %dma_wait3A_76 = arith.constant 0 : i32
        %dma_wait3A_77 = tpu.memref_slice %arg12[%dma_wait3A_75, %dma_wait3A_76] : memref<80x128xf32, #tpu.memory_space<vmem>> -> memref<40x128xf32, #tpu.memory_space<vmem>>
        %dma_wait3A_78 = arith.constant 0 : i32
        %dma_wait3A_79 = arith.constant 0 : i32
        %dma_wait3A_80 = tpu.memref_slice %arg10[%scan3A, %dma_wait3A_78, %dma_wait3A_79] : memref<2x10x40xi32, #tpu.memory_space<vmem>> -> memref<1x10x40xi32, #tpu.memory_space<vmem>>
        %dma_wait3A_81 = tpu.memref_squeeze %dma_wait3A_80 : memref<1x10x40xi32, #tpu.memory_space<vmem>> -> memref<10x40xi32, #tpu.memory_space<vmem>>
        %dma_wait3A_82 = arith.constant 0 : i32
        %dma_wait3A_83 = tpu.memref_slice %dma_wait3A_81[%add3A_37, %dma_wait3A_82] : memref<10x40xi32, #tpu.memory_space<vmem>> -> memref<1x40xi32, #tpu.memory_space<vmem>>
        %dma_wait3A_84 = tpu.memref_squeeze %dma_wait3A_83 : memref<1x40xi32, #tpu.memory_space<vmem>> -> memref<40xi32, #tpu.memory_space<vmem>>
        %dma_wait3A_85 = arith.constant 0 : i32
        %dma_wait3A_86 = arith.constant 0 : i32
        %dma_wait3A_87 = tpu.memref_slice %arg2[%dma_wait3A_85, %dma_wait3A_86] : memref<10000x128xf32, #tpu.memory_space<hbm>> -> memref<10000x128xf32, #tpu.memory_space<hbm>>
        tpu.wait_indirect_dma semaphore(%arg15 : memref<!tpu.dma_semaphore, #tpu.memory_space<semaphore_mem>>) src(%dma_wait3A_87 : memref<10000x128xf32, #tpu.memory_space<hbm>>) dst(%dma_wait3A_77 : memref<40x128xf32, #tpu.memory_space<vmem>>)
        "tpu.region"() ({
          %run_scoped3A = tpu.sem_alloc : memref<!tpu.dma_semaphore, #tpu.memory_space<semaphore_mem>>
          %dma_start3A_88 = arith.constant 40 : i32
          %dma_start3A_89 = arith.constant 0 : i32
          %dma_start3A_90 = tpu.memref_slice %arg12[%dma_start3A_88, %dma_start3A_89] : memref<80x128xf32, #tpu.memory_space<vmem>> -> memref<40x128xf32, #tpu.memory_space<vmem>>
          %dma_start3A_91 = arith.constant 0 : i32
          %dma_start3A_92 = arith.constant 0 : i32
          %dma_start3A_93 = tpu.memref_slice %arg10[%scan3A_3, %dma_start3A_91, %dma_start3A_92] : memref<2x10x40xi32, #tpu.memory_space<vmem>> -> memref<1x10x40xi32, #tpu.memory_space<vmem>>
          %dma_start3A_94 = tpu.memref_squeeze %dma_start3A_93 : memref<1x10x40xi32, #tpu.memory_space<vmem>> -> memref<10x40xi32, #tpu.memory_space<vmem>>
          %dma_start3A_95 = arith.constant 0 : i32
          %dma_start3A_96 = tpu.memref_slice %dma_start3A_94[%add3A_37, %dma_start3A_95] : memref<10x40xi32, #tpu.memory_space<vmem>> -> memref<1x40xi32, #tpu.memory_space<vmem>>
          %dma_start3A_97 = tpu.memref_squeeze %dma_start3A_96 : memref<1x40xi32, #tpu.memory_space<vmem>> -> memref<40xi32, #tpu.memory_space<vmem>>
          %dma_start3A_98 = arith.constant 0 : i32
          %dma_start3A_99 = arith.constant 0 : i32
          %dma_start3A_100 = tpu.memref_slice %arg13[%dma_start3A_98, %dma_start3A_99] : memref<10240x128xf32, #tpu.memory_space<vmem_shared>> -> memref<10240x128xf32, #tpu.memory_space<vmem_shared>>
          tpu.enqueue_indirect_dma source(%dma_start3A_90 : memref<40x128xf32, #tpu.memory_space<vmem>>) target(%dma_start3A_100 : memref<10240x128xf32, #tpu.memory_space<vmem_shared>>) offsets(%dma_start3A_97 : memref<40xi32, #tpu.memory_space<vmem>>) semaphore(%run_scoped3A : memref<!tpu.dma_semaphore, #tpu.memory_space<semaphore_mem>>) {add = true}
          %dma_wait3A_101 = arith.constant 40 : i32
          %dma_wait3A_102 = arith.constant 0 : i32
          %dma_wait3A_103 = tpu.memref_slice %arg12[%dma_wait3A_101, %dma_wait3A_102] : memref<80x128xf32, #tpu.memory_space<vmem>> -> memref<40x128xf32, #tpu.memory_space<vmem>>
          %dma_wait3A_104 = arith.constant 0 : i32
          %dma_wait3A_105 = arith.constant 0 : i32
          %dma_wait3A_106 = tpu.memref_slice %arg10[%scan3A_3, %dma_wait3A_104, %dma_wait3A_105] : memref<2x10x40xi32, #tpu.memory_space<vmem>> -> memref<1x10x40xi32, #tpu.memory_space<vmem>>
          %dma_wait3A_107 = tpu.memref_squeeze %dma_wait3A_106 : memref<1x10x40xi32, #tpu.memory_space<vmem>> -> memref<10x40xi32, #tpu.memory_space<vmem>>
          %dma_wait3A_108 = arith.constant 0 : i32
          %dma_wait3A_109 = tpu.memref_slice %dma_wait3A_107[%add3A_37, %dma_wait3A_108] : memref<10x40xi32, #tpu.memory_space<vmem>> -> memref<1x40xi32, #tpu.memory_space<vmem>>
          %dma_wait3A_110 = tpu.memref_squeeze %dma_wait3A_109 : memref<1x40xi32, #tpu.memory_space<vmem>> -> memref<40xi32, #tpu.memory_space<vmem>>
          %dma_wait3A_111 = arith.constant 0 : i32
          %dma_wait3A_112 = arith.constant 0 : i32
          %dma_wait3A_113 = tpu.memref_slice %arg13[%dma_wait3A_111, %dma_wait3A_112] : memref<10240x128xf32, #tpu.memory_space<vmem_shared>> -> memref<10240x128xf32, #tpu.memory_space<vmem_shared>>
          tpu.wait_indirect_dma semaphore(%run_scoped3A : memref<!tpu.dma_semaphore, #tpu.memory_space<semaphore_mem>>) src(%dma_wait3A_103 : memref<40x128xf32, #tpu.memory_space<vmem>>) dst(%dma_wait3A_113 : memref<10240x128xf32, #tpu.memory_space<vmem_shared>>)
          tpu.yield
        }) : () -> ()
      }
      %scan3A_26 = arith.constant 5 : i32
    }
    %scan3A_8 = arith.constant 25 : i32
    %barrier3A_9 = arith.constant 0 : index
    tpu.barrier barrier_id(%barrier3A_9)
    "tpu.region"() ({
      %run_scoped3A = tpu.sem_alloc : memref<!tpu.dma_semaphore, #tpu.memory_space<semaphore_mem>>
      %dma_start3A = arith.constant 0 : i32
      %dma_start3A_17 = tpu.memref_slice %arg8[%arg0, %mul3A_2, %dma_start3A] : memref<2x10240x128xf32, #tpu.memory_space<hbm>> -> memref<1x640x128xf32, #tpu.memory_space<hbm>>
      %dma_start3A_18 = tpu.memref_squeeze %dma_start3A_17 : memref<1x640x128xf32, #tpu.memory_space<hbm>> -> memref<640x128xf32, #tpu.memory_space<hbm>>
      %dma_start3A_19 = arith.constant 0 : i32
      %dma_start3A_20 = tpu.memref_slice %arg13[%mul3A_2, %dma_start3A_19] : memref<10240x128xf32, #tpu.memory_space<vmem_shared>> -> memref<640x128xf32, #tpu.memory_space<vmem_shared>>
      tpu.enqueue_dma source(%dma_start3A_20 : memref<640x128xf32, #tpu.memory_space<vmem_shared>>) target(%dma_start3A_18 : memref<640x128xf32, #tpu.memory_space<hbm>>) target_semaphore(%run_scoped3A : memref<!tpu.dma_semaphore, #tpu.memory_space<semaphore_mem>>)
      %dma_wait3A = arith.constant 0 : i32
      %dma_wait3A_21 = tpu.memref_slice %arg8[%arg0, %mul3A_2, %dma_wait3A] : memref<2x10240x128xf32, #tpu.memory_space<hbm>> -> memref<1x640x128xf32, #tpu.memory_space<hbm>>
      %dma_wait3A_22 = tpu.memref_squeeze %dma_wait3A_21 : memref<1x640x128xf32, #tpu.memory_space<hbm>> -> memref<640x128xf32, #tpu.memory_space<hbm>>
      %dma_wait3A_23 = arith.constant 0 : i32
      %dma_wait3A_24 = tpu.memref_slice %arg13[%mul3A_2, %dma_wait3A_23] : memref<10240x128xf32, #tpu.memory_space<vmem_shared>> -> memref<640x128xf32, #tpu.memory_space<vmem_shared>>
      tpu.wait_dma2 semaphore(%run_scoped3A : memref<!tpu.dma_semaphore, #tpu.memory_space<semaphore_mem>>) src(%dma_wait3A_24 : memref<640x128xf32, #tpu.memory_space<vmem_shared>>) dst(%dma_wait3A_22 : memref<640x128xf32, #tpu.memory_space<hbm>>)
      tpu.yield
    }) : () -> ()
    "tpu.region"() ({
      %run_scoped3A = tpu.sem_alloc : memref<!tpu.dma_semaphore, #tpu.memory_space<semaphore_mem>>
      %dma_start3A = arith.constant 0 : i32
      %dma_start3A_17 = tpu.memref_slice %arg13[%mul3A_2, %dma_start3A] : memref<10240x128xf32, #tpu.memory_space<vmem_shared>> -> memref<640x128xf32, #tpu.memory_space<vmem_shared>>
      tpu.enqueue_dma source(%arg6 : memref<640x128xf32, #tpu.memory_space<hbm>>) target(%dma_start3A_17 : memref<640x128xf32, #tpu.memory_space<vmem_shared>>) target_semaphore(%run_scoped3A : memref<!tpu.dma_semaphore, #tpu.memory_space<semaphore_mem>>)
      %dma_wait3A = arith.constant 0 : i32
      %dma_wait3A_18 = tpu.memref_slice %arg13[%mul3A_2, %dma_wait3A] : memref<10240x128xf32, #tpu.memory_space<vmem_shared>> -> memref<640x128xf32, #tpu.memory_space<vmem_shared>>
      tpu.wait_dma2 semaphore(%run_scoped3A : memref<!tpu.dma_semaphore, #tpu.memory_space<semaphore_mem>>) src(%arg6 : memref<640x128xf32, #tpu.memory_space<hbm>>) dst(%dma_wait3A_18 : memref<640x128xf32, #tpu.memory_space<vmem_shared>>)
      tpu.yield
    }) : () -> ()
    "tpu.region"() ({
      %run_scoped3A = tpu.sem_alloc : memref<!tpu.dma_semaphore, #tpu.memory_space<semaphore_mem>>
      tpu.enqueue_dma source(%arg7 : memref<80x128xf32, #tpu.memory_space<hbm>>) target(%arg12 : memref<80x128xf32, #tpu.memory_space<vmem>>) target_semaphore(%run_scoped3A : memref<!tpu.dma_semaphore, #tpu.memory_space<semaphore_mem>>)
      tpu.wait_dma2 semaphore(%run_scoped3A : memref<!tpu.dma_semaphore, #tpu.memory_space<semaphore_mem>>) src(%arg7 : memref<80x128xf32, #tpu.memory_space<hbm>>) dst(%arg12 : memref<80x128xf32, #tpu.memory_space<vmem>>)
      tpu.yield
    }) : () -> ()
    %barrier3A_10 = arith.constant 0 : index
    tpu.barrier barrier_id(%barrier3A_10)
    %scan3A_11 = arith.constant 0 : i32
    %scan3A_12 = arith.constant 5 : i32
    %scan3A_13 = arith.addi %scan3A_11, %scan3A_12 : i32
    %scan3A_14 = arith.constant 1 : i32
    scf.for %scan3A_17 = %scan3A_11 to %scan3A_13 step %scan3A_14  : i32 {
      %mul3A_18 = arith.constant 1 : i32
      %mul3A_19 = arith.muli %scan3A_17, %mul3A_18 : i32
      %add3A_20 = arith.constant 0 : i32
      %add3A_21 = arith.addi %add3A_20, %mul3A_19 : i32
      "tpu.region"() ({
        %run_scoped3A = tpu.sem_alloc : memref<!tpu.dma_semaphore, #tpu.memory_space<semaphore_mem>>
        %dma_start3A = arith.constant 0 : i32
        %dma_start3A_27 = arith.constant 0 : i32
        %dma_start3A_28 = tpu.memref_slice %arg5[%add3A, %add3A_21, %dma_start3A, %dma_start3A_27] : memref<32x5x25x80xi32, #tpu.memory_space<hbm>> -> memref<1x1x25x80xi32, #tpu.memory_space<hbm>>
        %dma_start3A_29 = tpu.memref_squeeze %dma_start3A_28 : memref<1x1x25x80xi32, #tpu.memory_space<hbm>> -> memref<25x80xi32, #tpu.memory_space<hbm>>
        %dma_start3A_30 = arith.constant 0 : i32
        %dma_start3A_31 = arith.constant 0 : i32
        %dma_start3A_32 = tpu.memref_slice %arg5[%add3A, %add3A_21, %dma_start3A_30, %dma_start3A_31] : memref<32x5x25x80xi32, #tpu.memory_space<hbm>> -> memref<1x1x25x80xi32, #tpu.memory_space<hbm>>
        %dma_start3A_33 = tpu.memref_squeeze %dma_start3A_32 : memref<1x1x25x80xi32, #tpu.memory_space<hbm>> -> memref<25x80xi32, #tpu.memory_space<hbm>>
        tpu.enqueue_dma source(%dma_start3A_33 : memref<25x80xi32, #tpu.memory_space<hbm>>) target(%arg11 : memref<25x80xi32, #tpu.memory_space<vmem>>) target_semaphore(%run_scoped3A : memref<!tpu.dma_semaphore, #tpu.memory_space<semaphore_mem>>)
        %dma_wait3A = arith.constant 0 : i32
        %dma_wait3A_34 = arith.constant 0 : i32
        %dma_wait3A_35 = tpu.memref_slice %arg5[%add3A, %add3A_21, %dma_wait3A, %dma_wait3A_34] : memref<32x5x25x80xi32, #tpu.memory_space<hbm>> -> memref<1x1x25x80xi32, #tpu.memory_space<hbm>>
        %dma_wait3A_36 = tpu.memref_squeeze %dma_wait3A_35 : memref<1x1x25x80xi32, #tpu.memory_space<hbm>> -> memref<25x80xi32, #tpu.memory_space<hbm>>
        %dma_wait3A_37 = arith.constant 0 : i32
        %dma_wait3A_38 = arith.constant 0 : i32
        %dma_wait3A_39 = tpu.memref_slice %arg5[%add3A, %add3A_21, %dma_wait3A_37, %dma_wait3A_38] : memref<32x5x25x80xi32, #tpu.memory_space<hbm>> -> memref<1x1x25x80xi32, #tpu.memory_space<hbm>>
        %dma_wait3A_40 = tpu.memref_squeeze %dma_wait3A_39 : memref<1x1x25x80xi32, #tpu.memory_space<hbm>> -> memref<25x80xi32, #tpu.memory_space<hbm>>
        tpu.wait_dma2 semaphore(%run_scoped3A : memref<!tpu.dma_semaphore, #tpu.memory_space<semaphore_mem>>) src(%dma_wait3A_40 : memref<25x80xi32, #tpu.memory_space<hbm>>) dst(%arg11 : memref<25x80xi32, #tpu.memory_space<vmem>>)
        tpu.yield
      }) : () -> ()
      %scan3A_22 = arith.constant 0 : i32
      %scan3A_23 = arith.constant 25 : i32
      %scan3A_24 = arith.addi %scan3A_22, %scan3A_23 : i32
      %scan3A_25 = arith.constant 1 : i32
      scf.for %scan3A_27 = %scan3A_22 to %scan3A_24 step %scan3A_25  : i32 {
        %mul3A_28 = arith.constant 1 : i32
        %mul3A_29 = arith.muli %scan3A_27, %mul3A_28 : i32
        %add3A_30 = arith.constant 0 : i32
        %add3A_31 = arith.addi %add3A_30, %mul3A_29 : i32
        "tpu.region"() ({
          %run_scoped3A = tpu.sem_alloc : memref<!tpu.dma_semaphore, #tpu.memory_space<semaphore_mem>>
          %dma_start3A = arith.constant 0 : i32
          %dma_start3A_32 = tpu.memref_slice %arg11[%add3A_31, %dma_start3A] : memref<25x80xi32, #tpu.memory_space<vmem>> -> memref<1x80xi32, #tpu.memory_space<vmem>>
          %dma_start3A_33 = tpu.memref_squeeze %dma_start3A_32 : memref<1x80xi32, #tpu.memory_space<vmem>> -> memref<80xi32, #tpu.memory_space<vmem>>
          %dma_start3A_34 = arith.constant 0 : i32
          %dma_start3A_35 = arith.constant 0 : i32
          %dma_start3A_36 = tpu.memref_slice %arg13[%dma_start3A_34, %dma_start3A_35] : memref<10240x128xf32, #tpu.memory_space<vmem_shared>> -> memref<10240x128xf32, #tpu.memory_space<vmem_shared>>
          tpu.enqueue_indirect_dma source(%arg12 : memref<80x128xf32, #tpu.memory_space<vmem>>) target(%dma_start3A_36 : memref<10240x128xf32, #tpu.memory_space<vmem_shared>>) offsets(%dma_start3A_33 : memref<80xi32, #tpu.memory_space<vmem>>) semaphore(%run_scoped3A : memref<!tpu.dma_semaphore, #tpu.memory_space<semaphore_mem>>) {add = true}
          %dma_wait3A = arith.constant 0 : i32
          %dma_wait3A_37 = tpu.memref_slice %arg11[%add3A_31, %dma_wait3A] : memref<25x80xi32, #tpu.memory_space<vmem>> -> memref<1x80xi32, #tpu.memory_space<vmem>>
          %dma_wait3A_38 = tpu.memref_squeeze %dma_wait3A_37 : memref<1x80xi32, #tpu.memory_space<vmem>> -> memref<80xi32, #tpu.memory_space<vmem>>
          %dma_wait3A_39 = arith.constant 0 : i32
          %dma_wait3A_40 = arith.constant 0 : i32
          %dma_wait3A_41 = tpu.memref_slice %arg13[%dma_wait3A_39, %dma_wait3A_40] : memref<10240x128xf32, #tpu.memory_space<vmem_shared>> -> memref<10240x128xf32, #tpu.memory_space<vmem_shared>>
          tpu.wait_indirect_dma semaphore(%run_scoped3A : memref<!tpu.dma_semaphore, #tpu.memory_space<semaphore_mem>>) src(%arg12 : memref<80x128xf32, #tpu.memory_space<vmem>>) dst(%dma_wait3A_41 : memref<10240x128xf32, #tpu.memory_space<vmem_shared>>)
          tpu.yield
        }) : () -> ()
      }
      %scan3A_26 = arith.constant 25 : i32
    }
    %scan3A_15 = arith.constant 5 : i32
    %barrier3A_16 = arith.constant 0 : index
    tpu.barrier barrier_id(%barrier3A_16)
    "tpu.region"() ({
      %run_scoped3A = tpu.sem_alloc : memref<!tpu.dma_semaphore, #tpu.memory_space<semaphore_mem>>
      %dma_start3A = arith.constant 0 : i32
      %dma_start3A_17 = tpu.memref_slice %arg9[%arg0, %mul3A_2, %dma_start3A] : memref<2x10240x128xf32, #tpu.memory_space<hbm>> -> memref<1x640x128xf32, #tpu.memory_space<hbm>>
      %dma_start3A_18 = tpu.memref_squeeze %dma_start3A_17 : memref<1x640x128xf32, #tpu.memory_space<hbm>> -> memref<640x128xf32, #tpu.memory_space<hbm>>
      %dma_start3A_19 = arith.constant 0 : i32
      %dma_start3A_20 = tpu.memref_slice %arg13[%mul3A_2, %dma_start3A_19] : memref<10240x128xf32, #tpu.memory_space<vmem_shared>> -> memref<640x128xf32, #tpu.memory_space<vmem_shared>>
      tpu.enqueue_dma source(%dma_start3A_20 : memref<640x128xf32, #tpu.memory_space<vmem_shared>>) target(%dma_start3A_18 : memref<640x128xf32, #tpu.memory_space<hbm>>) target_semaphore(%run_scoped3A : memref<!tpu.dma_semaphore, #tpu.memory_space<semaphore_mem>>)
      %dma_wait3A = arith.constant 0 : i32
      %dma_wait3A_21 = tpu.memref_slice %arg9[%arg0, %mul3A_2, %dma_wait3A] : memref<2x10240x128xf32, #tpu.memory_space<hbm>> -> memref<1x640x128xf32, #tpu.memory_space<hbm>>
      %dma_wait3A_22 = tpu.memref_squeeze %dma_wait3A_21 : memref<1x640x128xf32, #tpu.memory_space<hbm>> -> memref<640x128xf32, #tpu.memory_space<hbm>>
      %dma_wait3A_23 = arith.constant 0 : i32
      %dma_wait3A_24 = tpu.memref_slice %arg13[%mul3A_2, %dma_wait3A_23] : memref<10240x128xf32, #tpu.memory_space<vmem_shared>> -> memref<640x128xf32, #tpu.memory_space<vmem_shared>>
      tpu.wait_dma2 semaphore(%run_scoped3A : memref<!tpu.dma_semaphore, #tpu.memory_space<semaphore_mem>>) src(%dma_wait3A_24 : memref<640x128xf32, #tpu.memory_space<vmem_shared>>) dst(%dma_wait3A_22 : memref<640x128xf32, #tpu.memory_space<hbm>>)
      tpu.yield
    }) : () -> ()
    return
  }
}

module attributes {stable_mosaic.version = 14 : i64} {
  func.func @_combine_body(%arg0: i32, %arg1: memref<1000x128xf32, #tpu.memory_space<vmem>>, %arg2: memref<1x1000x128xf32, #tpu.memory_space<vmem>>, %arg3: memref<1x1000x128xf32, #tpu.memory_space<vmem>>, %arg4: memref<1x1000x128xf32, #tpu.memory_space<vmem>>, %arg5: memref<1x1000x128xf32, #tpu.memory_space<vmem>>, %arg6: memref<128x128xf32, #tpu.memory_space<vmem>>, %arg7: memref<128x128xf32, #tpu.memory_space<vmem>>, %arg8: memref<128x128xf32, #tpu.memory_space<vmem>>, %arg9: memref<128x128xf32, #tpu.memory_space<vmem>>, %arg10: memref<1x128xf32, #tpu.memory_space<vmem>>, %arg11: memref<1x128xf32, #tpu.memory_space<vmem>>, %arg12: memref<1x128xf32, #tpu.memory_space<vmem>>, %arg13: memref<1000x128xf32, #tpu.memory_space<vmem>>) attributes {dimension_semantics = [#tpu.dimension_semantics<arbitrary>], iteration_bounds = array<i64: 10>, scalar_prefetch = 0 : i64, scratch_operands = 0 : i64, tpu.core_type = #tpu.core_type<tc>, window_params = [{transform_indices = @transform_0, window_bounds = array<i64: 1000, 128>}, {transform_indices = @transform_1, window_bounds = array<i64: 1, 1000, 128>}, {transform_indices = @transform_2, window_bounds = array<i64: 1, 1000, 128>}, {transform_indices = @transform_3, window_bounds = array<i64: 1, 1000, 128>}, {transform_indices = @transform_4, window_bounds = array<i64: 1, 1000, 128>}, {pipeline_mode = #tpu.pipeline_mode<synchronous>, transform_indices = @transform_5, window_bounds = array<i64: 128, 128>}, {pipeline_mode = #tpu.pipeline_mode<synchronous>, transform_indices = @transform_6, window_bounds = array<i64: 128, 128>}, {pipeline_mode = #tpu.pipeline_mode<synchronous>, transform_indices = @transform_7, window_bounds = array<i64: 128, 128>}, {pipeline_mode = #tpu.pipeline_mode<synchronous>, transform_indices = @transform_8, window_bounds = array<i64: 128, 128>}, {pipeline_mode = #tpu.pipeline_mode<synchronous>, transform_indices = @transform_9, window_bounds = array<i64: 1, 128>}, {pipeline_mode = #tpu.pipeline_mode<synchronous>, transform_indices = @transform_10, window_bounds = array<i64: 1, 128>}, {pipeline_mode = #tpu.pipeline_mode<synchronous>, transform_indices = @transform_11, window_bounds = array<i64: 1, 128>}, {transform_indices = @transform_12, window_bounds = array<i64: 1000, 128>}]} {
    %get3A = arith.constant 0 : index
    %get3A_0 = arith.constant 0 : index
    %get3A_1 = arith.constant 0 : index
    %get3A_2 = vector.load %arg4[%get3A, %get3A_0, %get3A_1] : memref<1x1000x128xf32, #tpu.memory_space<vmem>>, vector<1x1000x1xf32>
    %get3A_3 = vector.shape_cast %get3A_2 : vector<1x1000x1xf32> to vector<1000x1xf32>
    %get3A_4 = arith.constant 0 : index
    %get3A_5 = arith.constant 0 : index
    %get3A_6 = arith.constant 0 : index
    %get3A_7 = vector.load %arg5[%get3A_4, %get3A_5, %get3A_6] : memref<1x1000x128xf32, #tpu.memory_space<vmem>>, vector<1x1000x1xf32>
    %get3A_8 = vector.shape_cast %get3A_7 : vector<1x1000x1xf32> to vector<1000x1xf32>
    %get3A_9 = arith.constant 0 : index
    %get3A_10 = arith.constant 0 : index
    %get3A_11 = arith.constant 0 : index
    %get3A_12 = vector.load %arg2[%get3A_9, %get3A_10, %get3A_11] : memref<1x1000x128xf32, #tpu.memory_space<vmem>>, vector<1x1000x128xf32>
    %get3A_13 = vector.shape_cast %get3A_12 : vector<1x1000x128xf32> to vector<1000x128xf32>
    %max3A = arith.constant 1.000000e+00 : f32
    %max3A_14 = vector.broadcast %max3A : f32 to vector<1000x1xf32>
    %max3A_15 = arith.maximumf %get3A_3, %max3A_14 : vector<1000x1xf32>
    %div3A = vector.broadcast %max3A_15 : vector<1000x1xf32> to vector<1000x128xf32>
    %div3A_16 = arith.divf %get3A_13, %div3A : vector<1000x128xf32>
    %get3A_17 = arith.constant 0 : index
    %get3A_18 = arith.constant 0 : index
    %get3A_19 = arith.constant 0 : index
    %get3A_20 = vector.load %arg3[%get3A_17, %get3A_18, %get3A_19] : memref<1x1000x128xf32, #tpu.memory_space<vmem>>, vector<1x1000x128xf32>
    %get3A_21 = vector.shape_cast %get3A_20 : vector<1x1000x128xf32> to vector<1000x128xf32>
    %max3A_22 = arith.constant 1.000000e+00 : f32
    %max3A_23 = vector.broadcast %max3A_22 : f32 to vector<1000x1xf32>
    %max3A_24 = arith.maximumf %get3A_8, %max3A_23 : vector<1000x1xf32>
    %div3A_25 = vector.broadcast %max3A_24 : vector<1000x1xf32> to vector<1000x128xf32>
    %div3A_26 = arith.divf %get3A_21, %div3A_25 : vector<1000x128xf32>
    %gt3A = arith.constant 0.000000e+00 : f32
    %gt3A_27 = vector.broadcast %gt3A : f32 to vector<1000x1xf32>
    %gt3A_28 = arith.cmpf ogt, %get3A_3, %gt3A_27 : vector<1000x1xf32>
    %convert_element_type3A = arith.extui %gt3A_28 : vector<1000x1xi1> to vector<1000x1xi32>
    %convert_element_type3A_29 = arith.sitofp %convert_element_type3A : vector<1000x1xi32> to vector<1000x1xf32>
    %gt3A_30 = arith.constant 0.000000e+00 : f32
    %gt3A_31 = vector.broadcast %gt3A_30 : f32 to vector<1000x1xf32>
    %gt3A_32 = arith.cmpf ogt, %get3A_8, %gt3A_31 : vector<1000x1xf32>
    %convert_element_type3A_33 = arith.extui %gt3A_32 : vector<1000x1xi1> to vector<1000x1xi32>
    %convert_element_type3A_34 = arith.sitofp %convert_element_type3A_33 : vector<1000x1xi32> to vector<1000x1xf32>
    %get3A_35 = arith.constant 0 : index
    %get3A_36 = arith.constant 0 : index
    %get3A_37 = vector.load %arg6[%get3A_35, %get3A_36] : memref<128x128xf32, #tpu.memory_space<vmem>>, vector<128x128xf32>
    %dot_general3A = arith.constant dense<0.000000e+00> : vector<1000x128xf32>
    %dot_general3A_38 = tpu.matmul %div3A_16, %get3A_37, %dot_general3A {dimension_numbers = #tpu.dot_dimension_numbers<[1], [0], [0], [1], [0, 0, 1, 1], [], []>, transpose_lhs_hint = false} : vector<1000x128xf32>, vector<128x128xf32>, vector<1000x128xf32> -> vector<1000x128xf32>
    %get3A_39 = arith.constant 0 : index
    %get3A_40 = arith.constant 0 : index
    %get3A_41 = vector.load %arg7[%get3A_39, %get3A_40] : memref<128x128xf32, #tpu.memory_space<vmem>>, vector<128x128xf32>
    %dot_general3A_42 = arith.constant dense<0.000000e+00> : vector<1000x128xf32>
    %dot_general3A_43 = tpu.matmul %div3A_26, %get3A_41, %dot_general3A_42 {dimension_numbers = #tpu.dot_dimension_numbers<[1], [0], [0], [1], [0, 0, 1, 1], [], []>, transpose_lhs_hint = false} : vector<1000x128xf32>, vector<128x128xf32>, vector<1000x128xf32> -> vector<1000x128xf32>
    %add3A = arith.addf %dot_general3A_38, %dot_general3A_43 : vector<1000x128xf32>
    %get3A_44 = arith.constant 0 : index
    %get3A_45 = arith.constant 0 : index
    %get3A_46 = vector.load %arg10[%get3A_44, %get3A_45] : memref<1x128xf32, #tpu.memory_space<vmem>>, vector<1x128xf32>
    %mul3A = vector.broadcast %convert_element_type3A_29 : vector<1000x1xf32> to vector<1000x128xf32>
    %mul3A_47 = vector.broadcast %get3A_46 : vector<1x128xf32> to vector<1000x128xf32>
    %mul3A_48 = arith.mulf %mul3A, %mul3A_47 : vector<1000x128xf32>
    %add3A_49 = arith.addf %add3A, %mul3A_48 : vector<1000x128xf32>
    %get3A_50 = arith.constant 0 : index
    %get3A_51 = arith.constant 0 : index
    %get3A_52 = vector.load %arg11[%get3A_50, %get3A_51] : memref<1x128xf32, #tpu.memory_space<vmem>>, vector<1x128xf32>
    %mul3A_53 = vector.broadcast %convert_element_type3A_34 : vector<1000x1xf32> to vector<1000x128xf32>
    %mul3A_54 = vector.broadcast %get3A_52 : vector<1x128xf32> to vector<1000x128xf32>
    %mul3A_55 = arith.mulf %mul3A_53, %mul3A_54 : vector<1000x128xf32>
    %add3A_56 = arith.addf %add3A_49, %mul3A_55 : vector<1000x128xf32>
    %get3A_57 = arith.constant 0 : index
    %get3A_58 = arith.constant 0 : index
    %get3A_59 = vector.load %arg1[%get3A_57, %get3A_58] : memref<1000x128xf32, #tpu.memory_space<vmem>>, vector<1000x128xf32>
    %get3A_60 = arith.constant 0 : index
    %get3A_61 = arith.constant 0 : index
    %get3A_62 = vector.load %arg8[%get3A_60, %get3A_61] : memref<128x128xf32, #tpu.memory_space<vmem>>, vector<128x128xf32>
    %dot_general3A_63 = arith.constant dense<0.000000e+00> : vector<1000x128xf32>
    %dot_general3A_64 = tpu.matmul %get3A_59, %get3A_62, %dot_general3A_63 {dimension_numbers = #tpu.dot_dimension_numbers<[1], [0], [0], [1], [0, 0, 1, 1], [], []>, transpose_lhs_hint = false} : vector<1000x128xf32>, vector<128x128xf32>, vector<1000x128xf32> -> vector<1000x128xf32>
    %get3A_65 = arith.constant 0 : index
    %get3A_66 = arith.constant 0 : index
    %get3A_67 = vector.load %arg9[%get3A_65, %get3A_66] : memref<128x128xf32, #tpu.memory_space<vmem>>, vector<128x128xf32>
    %dot_general3A_68 = arith.constant dense<0.000000e+00> : vector<1000x128xf32>
    %dot_general3A_69 = tpu.matmul %add3A_56, %get3A_67, %dot_general3A_68 {dimension_numbers = #tpu.dot_dimension_numbers<[1], [0], [0], [1], [0, 0, 1, 1], [], []>, transpose_lhs_hint = false} : vector<1000x128xf32>, vector<128x128xf32>, vector<1000x128xf32> -> vector<1000x128xf32>
    %add3A_70 = arith.addf %dot_general3A_64, %dot_general3A_69 : vector<1000x128xf32>
    %get3A_71 = arith.constant 0 : index
    %get3A_72 = arith.constant 0 : index
    %get3A_73 = vector.load %arg12[%get3A_71, %get3A_72] : memref<1x128xf32, #tpu.memory_space<vmem>>, vector<1x128xf32>
    %add3A_74 = vector.broadcast %get3A_73 : vector<1x128xf32> to vector<1000x128xf32>
    %add3A_75 = arith.addf %add3A_70, %add3A_74 : vector<1000x128xf32>
    %swap3A = arith.constant 0 : index
    %swap3A_76 = arith.constant 0 : index
    %swap3A_77 = vector.load %arg13[%swap3A, %swap3A_76] : memref<1000x128xf32, #tpu.memory_space<vmem>>, vector<1000x128xf32>
    tpu.vector_store %arg13[%swap3A, %swap3A_76], %add3A_75 {strides = array<i32>} : memref<1000x128xf32, #tpu.memory_space<vmem>>, vector<1000x128xf32>,
    return
  }
  func.func @transform_0(%arg0: i32) -> (i32, i32) {
    %c0_i32 = arith.constant 0 : i32
    %c0_i32_0 = arith.constant 0 : i32
    return %arg0, %c0_i32 : i32, i32
  }
  func.func @transform_1(%arg0: i32) -> (i32, i32, i32) {
    %c0_i32 = arith.constant 0 : i32
    %c0_i32_0 = arith.constant 0 : i32
    %c0_i32_1 = arith.constant 0 : i32
    return %c0_i32, %arg0, %c0_i32_0 : i32, i32, i32
  }
  func.func @transform_2(%arg0: i32) -> (i32, i32, i32) {
    %c1_i32 = arith.constant 1 : i32
    %c0_i32 = arith.constant 0 : i32
    %c0_i32_0 = arith.constant 0 : i32
    return %c1_i32, %arg0, %c0_i32 : i32, i32, i32
  }
  func.func @transform_3(%arg0: i32) -> (i32, i32, i32) {
    %c0_i32 = arith.constant 0 : i32
    %c0_i32_0 = arith.constant 0 : i32
    %c0_i32_1 = arith.constant 0 : i32
    return %c0_i32, %arg0, %c0_i32_0 : i32, i32, i32
  }
  func.func @transform_4(%arg0: i32) -> (i32, i32, i32) {
    %c1_i32 = arith.constant 1 : i32
    %c0_i32 = arith.constant 0 : i32
    %c0_i32_0 = arith.constant 0 : i32
    return %c1_i32, %arg0, %c0_i32 : i32, i32, i32
  }
  func.func @transform_5(%arg0: i32) -> (i32, i32) {
    %c0_i32 = arith.constant 0 : i32
    %c0_i32_0 = arith.constant 0 : i32
    %c0_i32_1 = arith.constant 0 : i32
    return %c0_i32, %c0_i32_0 : i32, i32
  }
  func.func @transform_6(%arg0: i32) -> (i32, i32) {
    %c0_i32 = arith.constant 0 : i32
    %c0_i32_0 = arith.constant 0 : i32
    %c0_i32_1 = arith.constant 0 : i32
    return %c0_i32, %c0_i32_0 : i32, i32
  }
  func.func @transform_7(%arg0: i32) -> (i32, i32) {
    %c0_i32 = arith.constant 0 : i32
    %c0_i32_0 = arith.constant 0 : i32
    %c0_i32_1 = arith.constant 0 : i32
    return %c0_i32, %c0_i32_0 : i32, i32
  }
  func.func @transform_8(%arg0: i32) -> (i32, i32) {
    %c0_i32 = arith.constant 0 : i32
    %c0_i32_0 = arith.constant 0 : i32
    %c0_i32_1 = arith.constant 0 : i32
    return %c0_i32, %c0_i32_0 : i32, i32
  }
  func.func @transform_9(%arg0: i32) -> (i32, i32) {
    %c0_i32 = arith.constant 0 : i32
    %c0_i32_0 = arith.constant 0 : i32
    %c0_i32_1 = arith.constant 0 : i32
    return %c0_i32, %c0_i32_0 : i32, i32
  }
  func.func @transform_10(%arg0: i32) -> (i32, i32) {
    %c0_i32 = arith.constant 0 : i32
    %c0_i32_0 = arith.constant 0 : i32
    %c0_i32_1 = arith.constant 0 : i32
    return %c0_i32, %c0_i32_0 : i32, i32
  }
  func.func @transform_11(%arg0: i32) -> (i32, i32) {
    %c0_i32 = arith.constant 0 : i32
    %c0_i32_0 = arith.constant 0 : i32
    %c0_i32_1 = arith.constant 0 : i32
    return %c0_i32, %c0_i32_0 : i32, i32
  }
  func.func @transform_12(%arg0: i32) -> (i32, i32) {
    %c0_i32 = arith.constant 0 : i32
    %c0_i32_0 = arith.constant 0 : i32
    return %arg0, %c0_i32 : i32, i32
  }
}

</mosaic_0001>

<sc_bundles>
// kernel: kernel.4.cloned.1.call-start
scs
__scs_entry_jumppad:
0x0: {  	(pc) =	sbr.rel $0x88, $3  }
0x1: {  	(tag) =	ssettag $0x0;
	lr =	simm.s32 $0x1  }
0x2: {  	[smem:$0x3F96] =	sst lr;
	_ =	strace $0xD0000000  }
0x3: {  	_ = 	snop  }
0x4: {  	_ = 	snop  }
0x5: {  	_ = 	snop  }
0x6: {  	_ = 	snop  }
0x7: {  	_ = 	snop  }
__scs_overlays_trampoline_lowered:
0x8: {  	[smem:$0x3FA5] =	sst s0  }
0x9: {  	[smem:$0x3FA6] =	sst s1  }
0xa: {  	[smem:$0x3FA7] =	sst s2  }
0xb: {  	[smem:$0x3FA8] =	sst s3  }
0xc: {  	[smem:$0x3FA9] =	sst s4  }
0xd: {  	[smem:$0x3FAA] =	sst s5  }
0xe: {  	[smem:$0x3FAB] =	sst s6  }
0xf: {  	[smem:$0x3FAC] =	sst s7  }
0x10: {  	[smem:$0x3FAD] =	sst s8  }
0x11: {  	[smem:$0x3FAE] =	sst s9;
	s0 =	simm.s32 @!p0 $0x0  }
0x12: {  	s1 =	sld [smem:$0x3F94];
	s0 =	simm.s32 @p0 $0x1  }
0x13: {  	[smem:$0x3FAF] =	sst s0;
	s0 =	simm.s32 @!p1 $0x0  }
0x14: {  	s2 =	sld [smem:$0x3F93];
	s0 =	simm.s32 @p1 $0x1  }
0x15: {  	[smem:$0x3FB0] =	sst s0;
	s0 =	simm.s32 @!p2 $0x0  }
0x16: {  	s3 =	sld [smem:$0x3FDB];
	s0 =	simm.s32 @p2 $0x1  }
0x17: {  	s4 =	simm.s32 $0x1BF5;
	[smem:$0x3FB2] =	sst s0  }
0x18: {  	s0 =	sld [smem:$0x3F95];
	_ =	swait.ge [sflag:s4], $0x0  }
0x19: {  	s7 =	sld [smem:$0x3F96]  }
0x1a: {  	s8 =	sadd.s32 $0xFFFFE003, lr  }
0x1b: {  	s9 =	sadd.s32 $0xFFFFFEF7, lr;
	s5 =	simm.s32 $0xFFFFFFFF;
	p2 =	slt.u32 s8, $0xFFFFF086  }
0x1c: {  	p1 =	slt.u32 s9, $0xF7A;
	s5 =	simm.s32 @!p2 $0x0  }
0x1d: {  	s5 =	simm.s32 @p1 $0x1;
	p0 =	seq.s32 s7, s2  }
0x1e: {  	s7 =	smul.u32 @!p0 $0xF7A, s2;
	p2 =	seq.s32 @!p0 s5, $0x0  }
0x1f: {  	s9 =	smul.u32 $0xF7A, s1;
	s8 =	simm.s32 @!p0 $0x1BF5;
	p2 =	por !p2, p0  }
0x20: {  	[sflag:s8] =	ssyncset.s32 @!p0 $0xFFFFF086;
	s6 =	sadd.s32 @!p0 s3, s7;
	s7 =	simm.s32 @!p0 $0x108  }
0x21: {  	s3 =	sadd.s32 s3, s9;
	s6 =	sadd.s32 @!p0 $0x88, s6;
	s7 =	simm.s32 @p2 $0x1082  }
0x22: {  	[simem:s7], [sflag:s8] =	dma.local @!p0 [hbm:s6], $0xF7A  }
0x23: {  	s9 =	sor.u32 $0xD0000000, s2;
	s6 =	simm.s32 $0x108;
	_ =	swait.ge @!p0 [sflag:s8], $0x0  }
0x24: {  	s3 =	sadd.s32 $0x88, s3;
	s6 =	simm.s32 @!p1 $0x1082;
	[sflag:s4] =	ssyncset.s32 $0xFFFFF086  }
0x25: {  	[simem:s6], [sflag:s4] =	dma.local [hbm:s3], $0xF7A  }
0x26: {  	[smem:$0x3F96] =	sst s1;
	(tag) =	ssettag s2;
	_ =	strace s9  }
0x27: {  	s1 =	sld [smem:$0x3FA6]  }
0x28: {  	s2 =	sld [smem:$0x3FA7]  }
0x29: {  	s4 =	sld [smem:$0x3FA9]  }
0x2a: {  	p0 =	seq.s32 s5, $0x0;
	s5 =	sld [smem:$0x3FAA]  }
0x2b: {  	s6 =	sld [smem:$0x3FAB]  }
0x2c: {  	s7 =	sld [smem:$0x3FAC]  }
0x2d: {  	s3 =	simm.s32 $0x108;
	s8 =	sld [smem:$0x3FAD]  }
0x2e: {  	s3 =	simm.s32 @!p0 $0x1082;
	s9 =	sld [smem:$0x3FAE]  }
0x2f: {  	lr =	sadd.s32 s0, s3;
	s0 =	sld [smem:$0x3FA5]  }
0x30: {  	s3 =	sld [smem:$0x3FA8]  }
0x31: {  	[smem:$0x3FB1] =	sst s10  }
0x32: {  	s10 =	sld [smem:$0x3FAF];
	_ =	sdelay $0x3  }
0x33: {  	p0 =	seq.s32 s10, $0x1;
	s10 =	sld [smem:$0x3FB1];
	_ =	sdelay $0x3  }
0x34: {  	[smem:$0x3FB1] =	sst s10  }
0x35: {  	s10 =	sld [smem:$0x3FB0];
	_ =	sdelay $0x3  }
0x36: {  	p1 =	seq.s32 s10, $0x1;
	s10 =	sld [smem:$0x3FB1];
	_ =	sdelay $0x3  }
0x37: {  	[smem:$0x3FB1] =	sst s10  }
0x38: {  	s10 =	sld [smem:$0x3FB2]  }
0x39: {  	_ = 	snop;
	(pc) =	sbr.ind lr, $3  }
0x3a: {  	_ = 	snop  }
0x3b: {  	_ = 	snop  }
0x3c: {  	p2 =	seq.s32 s10, $0x1;
	s10 =	sld [smem:$0x3FB1]  }
0x3d: {  	_ =	shalt  }
0x3e: {  	_ =	shalt  }
0x3f: {  	_ =	shalt  }
0x40: {  	_ =	shalt  }
0x41: {  	_ =	shalt  }
0x42: {  	_ =	shalt  }
0x43: {  	_ =	shalt  }
0x44: {  	_ =	shalt  }
0x45: {  	_ =	shalt  }
0x46: {  	_ =	shalt  }
0x47: {  	_ =	shalt  }
0x48: {  	_ =	shalt  }
0x49: {  	_ =	shalt  }
0x4a: {  	_ =	shalt  }
0x4b: {  	_ =	shalt  }
0x4c: {  	_ =	shalt  }
0x4d: {  	_ =	shalt  }
0x4e: {  	_ =	shalt  }
0x4f: {  	_ =	shalt  }
0x50: {  	_ =	shalt  }
0x51: {  	_ =	shalt  }
0x52: {  	_ =	shalt  }
0x53: {  	_ =	shalt  }
0x54: {  	_ =	shalt  }
0x55: {  	_ =	shalt  }
0x56: {  	_ =	shalt  }
0x57: {  	_ =	shalt  }
0x58: {  	_ =	shalt  }
0x59: {  	_ =	shalt  }
0x5a: {  	_ =	shalt  }
0x5b: {  	_ =	shalt  }
0x5c: {  	_ =	shalt  }
0x5d: {  	_ =	shalt  }
0x5e: {  	_ =	shalt  }
0x5f: {  	_ =	shalt  }
0x60: {  	_ =	shalt  }
0x61: {  	_ =	shalt  }
0x62: {  	_ =	shalt  }
0x63: {  	_ =	shalt  }
0x64: {  	_ =	shalt  }
0x65: {  	_ =	shalt  }
0x66: {  	_ =	shalt  }
0x67: {  	_ =	shalt  }
0x68: {  	_ =	shalt  }
0x69: {  	_ =	shalt  }
0x6a: {  	_ =	shalt  }
0x6b: {  	_ =	shalt  }
0x6c: {  	_ =	shalt  }
0x6d: {  	_ =	shalt  }
0x6e: {  	_ =	shalt  }
0x6f: {  	_ =	shalt  }
0x70: {  	_ =	shalt  }
0x71: {  	_ =	shalt  }
0x72: {  	_ =	shalt  }
0x73: {  	_ =	shalt  }
0x74: {  	_ =	shalt  }
0x75: {  	_ =	shalt  }
0x76: {  	_ =	shalt  }
0x77: {  	_ =	shalt  }
0x78: {  	_ =	shalt  }
0x79: {  	_ =	shalt  }
0x7a: {  	_ =	shalt  }
0x7b: {  	_ =	shalt  }
0x7c: {  	_ =	shalt  }
0x7d: {  	_ =	shalt  }
0x7e: {  	_ =	shalt  }
0x7f: {  	_ =	shalt  }
0x80: {  	_ =	shalt  }
0x81: {  	_ =	shalt  }
0x82: {  	_ =	shalt  }
0x83: {  	_ =	shalt  }
0x84: {  	_ =	shalt  }
0x85: {  	_ =	shalt  }
0x86: {  	_ =	shalt  }
0x87: {  	_ =	shalt  }
.Lfunc_end0:
.L_simem_size_0:
called_computation_lowered:
.L_overlay_start_0:
0x88: {  	s2 =	sld [smem:$0x3FD9]  }
0x89: {  	s3 =	sld [smem:$0x3FFE];
	_ =	sdelay $0x1  }
0x8a: {  	s1 =	srdreg.scid  }
0x8b: {  	s0 =	sand.u32 $0x1, s1  }
0x8c: {  	s17 =	sshll.u32 s0, $0xA;
	s2 =	sadd.s32 s3, s2  }
0x8d: {  	s2 =	sadd.s32 s2, s17  }
0x8e: {  	[smem:$0x3FBD] =	sst s2  }
0x8f: {  	_ = 	snop  }
0x90: {  	s2 =	sld [smem:$0x3FC9]  }
0x91: {  	s18 =	sld [smem:$0x3FD0];
	(tm) =	ssettm $0x1  }
0x92: {  	s4 =	sld [smem:$0x3FFB];
	_ =	sdelay $0x3  }
0x93: {  	_ =	strace s4  }
0x94: {  	s4 =	sld [smem:$0x3FFC];
	_ =	sdelay $0x3  }
0x95: {  	_ =	strace s4  }
0x96: {  	s4 =	sld [smem:$0x3FFD];
	_ =	sdelay $0x3  }
0x97: {  	_ =	strace s4  }
0x98: {  	_ =	strace $0x8FFFFFFF  }
0x99: {  	s19 =	sld [smem:$0x3FDB];
	_ =	sdelay $0x1  }
0x9a: {  	s5 =	simm.s32 $_scs_section_size  }
0x9b: {  	s6 =	simm.s32 $_size__tile_overlayer_lowered;
	s7 =	simm.s32 $_tile_overlayer_lowered  }
0x9c: {  	s22 =	simm.s32 $0x1BFF;
	s21 =	sshll.u32 s7, $0x1;
	s4 =	sadd.s32 s5, s19  }
0x9d: {  	s8 =	simm.s32 $0x0;
	s20 =	sshll.u32 s6, $0x1;
	s6 =	sadd.s32 s21, s4  }
0x9e: {  	[timem:s8], [sflag:s22] =	dma.local [hbm:s6], s20  }
0x9f: {  	_ =	swait.ge [sflag:s22], s20  }
0xa0: {  	s5 =	ssub.s32 $0x0, s20;
	[sflag:s22] =	ssyncset.done $0x0  }
0xa1: {  	[sflag:s22] =	ssyncadd.s32 s5;
	_ =	sdelay $0x1  }
0xa2: {  	s23 =	simm.s32 $0x1B8B  }
0xa3: {  	_ =	swait.ge [sflag:s23], $0x1  }
0xa4: {  	[sflag:s23] =	ssyncset.done $0x0  }
0xa5: {  	s25 =	simm.s32 $0x1B8E;
	s24 =	sld [smem:$0x3FFE];
	[sflag:s23] =	ssyncadd.s32 $0xFFFFFFFF  }
0xa6: {  	s26 =	simm.s32 $execute0_lowered;
	[smem:$0x3FD2] =	sst s25  }
0xa7: {  	s6 =	sshll.u32 s26, $0x1;
	_ =	strace $0x80000046;
	[dreg:$0x1] =	wrdreg $0xFFFFFFFF  }
0xa8: {  	s28 =	simm.s32 $_size_execute0_lowered;
	s4 =	sadd.s32 s4, s6;
	[dreg:$0x0] =	wrdreg $0x0  }
0xa9: {  	s6 =	sshll.u32 s28, $0x1;
	[dreg:$0x2] =	wrdreg s4  }
0xaa: {  	[dreg:$0x3] =	wrdreg s6  }
0xab: {  	[dreg:$0x4] =	wrdreg $0xC0  }
0xac: {  	_ =	task [dreg:s8], $0x5FFFF  }
0xad: {  	[dreg:$0x1] =	wrdreg $0xFFFFFFFF  }
0xae: {  	[dreg:$0x0] =	wrdreg $0x60  }
0xaf: {  	[dreg:$0x2] =	wrdreg s2  }
0xb0: {  	[dreg:$0x3] =	wrdreg s24  }
0xb1: {  	[dreg:$0x4] =	wrdreg s18  }
0xb2: {  	[dreg:$0x5] =	wrdreg $0x48000  }
0xb3: {  	[dreg:$0x6] =	wrdreg $0x9  }
0xb4: {  	_ =	task.clear_ibuf [dreg:s8], $0x7FFFF;
	_ =	strace $0x90000046  }
0xb5: {  	s29 =	simm.s32 $0x9;
	_ =	strace $0x80000048  }
0xb6: {  	_ =	swait.ge [sflag:s29], $0x1  }
0xb7: {  	[sflag:s29] =	ssyncadd.s32 $0xFFFFFFFF  }
0xb8: {  	_ =	strace $0x90000048  }
0xb9: {  	_ =	sfence  }
0xba: {  	s30 =	sld [smem:$0x0];
	_ =	sdelay $0x2  }
0xbb: {  	s31 =	sshll.u32 s1, $0xD;
	s1 =	sshrl.u32 s1, $0x2  }
0xbc: {  	s3 =	sand.u32 $0x4000, s31;
	s1 =	sadd.s32 s1, s30  }
0xbd: {  	s0 =	sor.u32 s3, s0;
	s1 =	sshll.u32 s1, $0x11  }
0xbe: {  	s0 =	sor.u32 s1, s0  }
0xbf: {  	s0 =	sadd.s32 $0x8F2B, s0  }
0xc0: {  	[sflag:s0] =	ssyncadd.remote.s32 $0x1  }
0xc1: {  	_ =	sfence.sel $0xFFFF  }
0xc2: {  	[dreg:$0x0] =	wrdreg $0xFFFFFFFF;
	(pc) =	sbr.abs _section_cstart, $3  }
0xc3: {  	[dreg:$0x1] =	wrdreg $0xFFFFFFFF  }
0xc4: {  	_ =	task.clear_ibuf [dreg:s8], $0x2FFFF;
	_ =	strace $0x9FFFFFFF  }
0xc5: {  	(tm) =	ssettm $0x7FFFFFFF  }
tec
execute0_lowered:
.L_overlay_start_1:
0x0: {  	(tag) =	ssettag $0x1  }
0x1: {  	s0 =	rddreg [dreg:$0x0]  }
0x2: {  	s1 =	rddreg [dreg:$0x1]  }
0x3: {  	s2 =	srdreg.scid;
	s5 =	rddreg [dreg:$0x2]  }
0x4: {  	s10 =	stileid.u32;
	s3 =	rddreg [dreg:$0x3];
	s4 =	simm.s32 $0x0  }
0x5: {  	s26 =	simm.s32 $0x80;
	s28 =	simm.s32 $0x900;
	s29 =	simm.s32 $0x980  }
0x6: {  	s30 =	simm.s32 $0x200;
	s31 =	simm.s32 $0x280;
	s7 =	smul.u32 $0xC800, s10  }
0x7: {  	s2 =	sand.u32 $0x1, s2;
	[smem:$0x7FF] =	sst s4;
	s11 =	smul.u32 $0x14000, s10  }
0x8: {  	s9 =	sadd.s32 $0x65400, s1;
	s12 =	sadd.s32 $0x67C00, s1;
	s14 =	smul.u32 $0x50000, s10  }
0x9: {  	s6 =	smul.u32 $0xC8000, s2;
	_ =	strace $0x80000047;
	[dreg:$0x8] =	wrdreg s9  }
0xa: {  	s17 =	sshll.u32 s10, $0x6;
	s8 =	smul.u32 $0x140000, s2;
	[dreg:$0x9] =	wrdreg s12  }
0xb: {  	s13 =	sshll.u32 s2, $0x4;
	s2 =	ssub.s32 $0x2, s2;
	s9 =	sor.u32 $0x1C03, s17  }
0xc: {  	s17 =	simm.s32 $0x3;
	[dreg:$0x7] =	wrdreg s26;
	s26 =	simm.s32 $0x180  }
0xd: {  	s12 =	simm.s32 $0x400;
	s15 =	sshrl.u32 s2, $0x1;
	s16 =	sshrl.u32 s14, $0x2  }
0xe: {  	[dreg:$0xa] =	wrdreg s9;
	s9 =	simm.s32 $0xB00;
	s14 =	simm.s32 $0xC00  }
0xf: {  	s6 =	sadd.s32 s7, s6;
	s7 =	sadd.s32 s11, s8;
	s8 =	sor.u32 s10, s13  }
0x10: {  	s2 =	ssub.s32 s2, s15;
	s11 =	simm.s32 $0xB80;
	s13 =	simm.s32 $0x480  }
0x11: {  	s15 =	simm.s32 $0xC80;
	s6 =	sshrl.u32 s6, $0x3;
	s7 =	sshrl.u32 s7, $0x3  }
0x12: {  	s19 =	smax.u32 s2, $0x1;
	s6 =	sadd.s32 s6, s1;
	s1 =	sadd.s32 s7, s1  }
0x13: {  	s7 =	sadd.s32 s16, s3;
	[dreg:$0xe] =	wrdreg s19;
	s16 =	simm.s32 $0x0  }
0x14: {  	s8 =	smul.u32 $0x5000, s8;
	s18 =	sadd.s32 $0x68200, s1;
	[dreg:$0x14] =	wrdreg s16  }
0x15: {  	s2 =	simm.s32 $0xA00;
	s1 =	sadd.s32 $0xB8200, s1;
	[dreg:$0xb] =	wrdreg s18  }
0x16: {  	s19 =	simm.s32 $0x28;
	s21 =	sadd.s32 $0x33400, s6;
	[dreg:$0xc] =	wrdreg s1  }
0x17: {  	s8 =	sshrl.u32 s8, $0x3;
	s23 =	sadd.s32 $0x1400, s6;
	[dreg:$0x5] =	wrdreg s21  }
0x18: {  	s7 =	sshrl.u32 s7, $0x3;
	s6 =	simm.s32 $0x300;
	[dreg:$0x6] =	wrdreg s23  }
0x19: {  	s5 =	sadd.s32 s5, s8;
	s18 =	simm.s32 $0x800;
	[dreg:$0x13] =	wrdreg s7  }
0x1a: {  	s21 =	simm.s32 $0x3400;
	s20 =	sadd.s32 $0x200, s5;
	[dreg:$0xd] =	wrdreg s5  }
0x1b: {  	s23 =	simm.s32 $0x2;
	s22 =	sadd.s32 $0x400, s5;
	[dreg:$0xf] =	wrdreg s20  }
0x1c: {  	s1 =	simm.s32 $0xA80;
	s24 =	sadd.s32 $0x600, s5;
	[dreg:$0x10] =	wrdreg s22  }
0x1d: {  	s8 =	simm.s32 $0x380;
	s25 =	sadd.s32 $0x800, s5;
	[dreg:$0x11] =	wrdreg s24  }
0x1e: {  	s5 =	simm.s32 $0x50;
	[dreg:$0x12] =	wrdreg s25;
	s20 =	simm.s32 $0x2000  }
0x1f: {  	s22 =	simm.s32 $0x1;
	s24 =	simm.s32 $0x880;
	s25 =	simm.s32 $0x100  }
.LBB2_1:
0x20: {  	s10 =	rddreg [dreg:$0x8]  }
0x21: {  	s16 =	rddreg [dreg:$0xa]  }
0x22: {  	[spmem:s7], [sflag:s16] =	dma.local [hbm:s10], $0x2800  }
0x23: {  	_ =	swait.ge [sflag:s17], $0x2800  }
0x24: {  	[sflag:s17] =	ssyncset.done $0x0  }
0x25: {  	[sflag:s17] =	ssyncadd.s32 $0xFFFFD800  }
0x26: {  	[bflag:$0x0] =	sbarrier.arrive $0xFFFF  }
0x27: {  	s16 =	rddreg [dreg:$0x6]  }
0x28: {  	s7 =	sadd.s32 $0x0, s16  }
0x29: {  	[tilespmem:s4], [sflag:$0x3] =	stream.linear.gather [hbm4b:s7+s4], $0x500, $0x38;
	[tilespmem:$0x18800] =	vst v63  }
0x2a: {  	_ =	swait.ge [sflag:s17], $0x500  }
0x2b: {  	s10 =	rddreg [dreg:$0x5];
	[sflag:s17] =	ssyncset.done $0x0  }
0x2c: {  	[sflag:s17] =	ssyncadd.s32 $0xFFFFFB00;
	s7 =	sadd.s32 $0x0, s10  }
0x2d: {  	[tilespmem:s18], [sflag:$0x3] =	stream.linear.gather [hbm4b:s7+s4], $0x500, $0x38;
	[tilespmem:$0x18800] =	vst v63  }
0x2e: {  	_ =	swait.ge [sflag:s17], $0x500  }
0x2f: {  	[sflag:s17] =	ssyncset.done $0x0  }
0x30: {  	[sflag:s17] =	ssyncadd.s32 $0xFFFFFB00  }
0x31: {  	[tilespmem:s20], [sflag:$0x1] =	stream.indirect.gather [hbm4b:s0+s19], $0x80, s4, s19, $0xb8;
	[tilespmem:$0x18800] =	vst v63  }
0x32: {  	s16 =	rddreg [dreg:$0x7]  }
0x33: {  	[tilespmem:s21], [sflag:$0x2] =	stream.indirect.gather [hbm4b:s0+s19], $0x80, s16, s19, $0xb8;
	[tilespmem:$0x18800] =	vst v63  }
0x34: {  	_ =	swait.ge [sflag:s22], $0x1400  }
0x35: {  	[sflag:s22] =	ssyncset.done $0x0  }
0x36: {  	[sflag:s22] =	ssyncadd.s32 $0xFFFFEC00  }
0x37: {  	[spmem:s3] =	stream.indirect.scatter.add.f32 [tilespmem:s20], [sflag:$0x3], $0x80, s18, s19, $0xb8;
	[tilespmem:$0x18800] =	vst v63  }
0x38: {  	_ =	swait.ge [sflag:s17], $0x1400  }
0x39: {  	[sflag:s17] =	ssyncset.done $0x0  }
0x3a: {  	[sflag:s17] =	ssyncadd.s32 $0xFFFFEC00  }
0x3b: {  	_ =	swait.ge [sflag:s23], $0x1400  }
0x3c: {  	[sflag:s23] =	ssyncset.done $0x0  }
0x3d: {  	[sflag:s23] =	ssyncadd.s32 $0xFFFFEC00  }
0x3e: {  	[spmem:s3] =	stream.indirect.scatter.add.f32 [tilespmem:s21], [sflag:$0x3], $0x80, s24, s19, $0xb8;
	[tilespmem:$0x18800] =	vst v63  }
0x3f: {  	_ =	swait.ge [sflag:s17], $0x1400  }
0x40: {  	[sflag:s17] =	ssyncset.done $0x0  }
0x41: {  	[sflag:s17] =	ssyncadd.s32 $0xFFFFEC00  }
0x42: {  	[tilespmem:s20], [sflag:$0x1] =	stream.indirect.gather [hbm4b:s0+s19], $0x80, s25, s19, $0xb8;
	[tilespmem:$0x18800] =	vst v63  }
0x43: {  	_ = 	snop  }
0x44: {  	[tilespmem:s21], [sflag:$0x2] =	stream.indirect.gather [hbm4b:s0+s19], $0x80, s26, s19, $0xb8;
	[tilespmem:$0x18800] =	vst v63  }
0x45: {  	_ =	swait.ge [sflag:s22], $0x1400  }
0x46: {  	[sflag:s22] =	ssyncset.done $0x0  }
0x47: {  	[sflag:s22] =	ssyncadd.s32 $0xFFFFEC00  }
0x48: {  	[spmem:s3] =	stream.indirect.scatter.add.f32 [tilespmem:s20], [sflag:$0x3], $0x80, s28, s19, $0xb8;
	[tilespmem:$0x18800] =	vst v63  }
0x49: {  	_ =	swait.ge [sflag:s17], $0x1400  }
0x4a: {  	[sflag:s17] =	ssyncset.done $0x0  }
0x4b: {  	[sflag:s17] =	ssyncadd.s32 $0xFFFFEC00  }
0x4c: {  	_ =	swait.ge [sflag:s23], $0x1400  }
0x4d: {  	[sflag:s23] =	ssyncset.done $0x0  }
0x4e: {  	[sflag:s23] =	ssyncadd.s32 $0xFFFFEC00  }
0x4f: {  	[spmem:s3] =	stream.indirect.scatter.add.f32 [tilespmem:s21], [sflag:$0x3], $0x80, s29, s19, $0xb8;
	[tilespmem:$0x18800] =	vst v63  }
0x50: {  	_ =	swait.ge [sflag:s17], $0x1400  }
0x51: {  	[sflag:s17] =	ssyncset.done $0x0  }
0x52: {  	[sflag:s17] =	ssyncadd.s32 $0xFFFFEC00  }
0x53: {  	[tilespmem:s20], [sflag:$0x1] =	stream.indirect.gather [hbm4b:s0+s19], $0x80, s30, s19, $0xb8;
	[tilespmem:$0x18800] =	vst v63  }
0x54: {  	_ = 	snop  }
0x55: {  	[tilespmem:s21], [sflag:$0x2] =	stream.indirect.gather [hbm4b:s0+s19], $0x80, s31, s19, $0xb8;
	[tilespmem:$0x18800] =	vst v63  }
0x56: {  	_ =	swait.ge [sflag:s22], $0x1400  }
0x57: {  	[sflag:s22] =	ssyncset.done $0x0  }
0x58: {  	[sflag:s22] =	ssyncadd.s32 $0xFFFFEC00  }
0x59: {  	[spmem:s3] =	stream.indirect.scatter.add.f32 [tilespmem:s20], [sflag:$0x3], $0x80, s2, s19, $0xb8;
	[tilespmem:$0x18800] =	vst v63  }
0x5a: {  	_ =	swait.ge [sflag:s17], $0x1400  }
0x5b: {  	[sflag:s17] =	ssyncset.done $0x0  }
0x5c: {  	[sflag:s17] =	ssyncadd.s32 $0xFFFFEC00  }
0x5d: {  	_ =	swait.ge [sflag:s23], $0x1400  }
0x5e: {  	[sflag:s23] =	ssyncset.done $0x0  }
0x5f: {  	[sflag:s23] =	ssyncadd.s32 $0xFFFFEC00  }
0x60: {  	[spmem:s3] =	stream.indirect.scatter.add.f32 [tilespmem:s21], [sflag:$0x3], $0x80, s1, s19, $0xb8;
	[tilespmem:$0x18800] =	vst v63  }
0x61: {  	_ =	swait.ge [sflag:s17], $0x1400  }
0x62: {  	[sflag:s17] =	ssyncset.done $0x0  }
0x63: {  	[sflag:s17] =	ssyncadd.s32 $0xFFFFEC00  }
0x64: {  	[tilespmem:s20], [sflag:$0x1] =	stream.indirect.gather [hbm4b:s0+s19], $0x80, s6, s19, $0xb8;
	[tilespmem:$0x18800] =	vst v63  }
0x65: {  	_ = 	snop  }
0x66: {  	[tilespmem:s21], [sflag:$0x2] =	stream.indirect.gather [hbm4b:s0+s19], $0x80, s8, s19, $0xb8;
	[tilespmem:$0x18800] =	vst v63  }
0x67: {  	_ =	swait.ge [sflag:s22], $0x1400  }
0x68: {  	[sflag:s22] =	ssyncset.done $0x0  }
0x69: {  	[sflag:s22] =	ssyncadd.s32 $0xFFFFEC00  }
0x6a: {  	[spmem:s3] =	stream.indirect.scatter.add.f32 [tilespmem:s20], [sflag:$0x3], $0x80, s9, s19, $0xb8;
	[tilespmem:$0x18800] =	vst v63  }
0x6b: {  	_ =	swait.ge [sflag:s17], $0x1400  }
0x6c: {  	[sflag:s17] =	ssyncset.done $0x0  }
0x6d: {  	[sflag:s17] =	ssyncadd.s32 $0xFFFFEC00  }
0x6e: {  	_ =	swait.ge [sflag:s23], $0x1400  }
0x6f: {  	[sflag:s23] =	ssyncset.done $0x0  }
0x70: {  	[sflag:s23] =	ssyncadd.s32 $0xFFFFEC00  }
0x71: {  	[spmem:s3] =	stream.indirect.scatter.add.f32 [tilespmem:s21], [sflag:$0x3], $0x80, s11, s19, $0xb8;
	[tilespmem:$0x18800] =	vst v63  }
0x72: {  	_ =	swait.ge [sflag:s17], $0x1400  }
0x73: {  	[sflag:s17] =	ssyncset.done $0x0  }
0x74: {  	[sflag:s17] =	ssyncadd.s32 $0xFFFFEC00  }
0x75: {  	[tilespmem:s20], [sflag:$0x1] =	stream.indirect.gather [hbm4b:s0+s19], $0x80, s12, s19, $0xb8;
	[tilespmem:$0x18800] =	vst v63  }
0x76: {  	_ = 	snop  }
0x77: {  	[tilespmem:s21], [sflag:$0x2] =	stream.indirect.gather [hbm4b:s0+s19], $0x80, s13, s19, $0xb8;
	[tilespmem:$0x18800] =	vst v63  }
0x78: {  	_ =	swait.ge [sflag:s22], $0x1400  }
0x79: {  	[sflag:s22] =	ssyncset.done $0x0  }
0x7a: {  	[sflag:s22] =	ssyncadd.s32 $0xFFFFEC00  }
0x7b: {  	[spmem:s3] =	stream.indirect.scatter.add.f32 [tilespmem:s20], [sflag:$0x3], $0x80, s14, s19, $0xb8;
	[tilespmem:$0x18800] =	vst v63  }
0x7c: {  	_ =	swait.ge [sflag:s17], $0x1400  }
0x7d: {  	[sflag:s17] =	ssyncset.done $0x0  }
0x7e: {  	[sflag:s17] =	ssyncadd.s32 $0xFFFFEC00  }
0x7f: {  	_ =	swait.ge [sflag:s23], $0x1400  }
0x80: {  	[sflag:s23] =	ssyncset.done $0x0  }
0x81: {  	[sflag:s23] =	ssyncadd.s32 $0xFFFFEC00  }
0x82: {  	[spmem:s3] =	stream.indirect.scatter.add.f32 [tilespmem:s21], [sflag:$0x3], $0x80, s15, s19, $0xb8;
	[tilespmem:$0x18800] =	vst v63  }
0x83: {  	s7 =	simm.s32 $0x100;
	_ =	swait.ge [sflag:s17], $0x1400  }
.LBB2_2:
0x84: {  	s16 =	rddreg [dreg:$0x6];
	s10 =	smov.u32 s7;
	[sflag:s17] =	ssyncset.done $0x0  }
0x85: {  	s16 =	sadd.s32 s10, s16;
	[sflag:s17] =	ssyncadd.s32 $0xFFFFEC00  }
0x86: {  	[tilespmem:s4], [sflag:$0x3] =	stream.linear.gather [hbm4b:s16+s4], $0x500, $0x38;
	[tilespmem:$0x18800] =	vst v63  }
0x87: {  	_ =	swait.ge [sflag:s17], $0x500  }
0x88: {  	s16 =	rddreg [dreg:$0x5];
	[sflag:s17] =	ssyncset.done $0x0  }
0x89: {  	[sflag:s17] =	ssyncadd.s32 $0xFFFFFB00;
	s10 =	sadd.s32 s10, s16  }
0x8a: {  	[tilespmem:s18], [sflag:$0x3] =	stream.linear.gather [hbm4b:s10+s4], $0x500, $0x38;
	[tilespmem:$0x18800] =	vst v63  }
0x8b: {  	_ =	swait.ge [sflag:s17], $0x500  }
0x8c: {  	[sflag:s17] =	ssyncset.done $0x0  }
0x8d: {  	[sflag:s17] =	ssyncadd.s32 $0xFFFFFB00  }
0x8e: {  	[tilespmem:s20], [sflag:$0x1] =	stream.indirect.gather [hbm4b:s0+s19], $0x80, s4, s19, $0xb8;
	[tilespmem:$0x18800] =	vst v63  }
0x8f: {  	s16 =	rddreg [dreg:$0x7]  }
0x90: {  	[tilespmem:s21], [sflag:$0x2] =	stream.indirect.gather [hbm4b:s0+s19], $0x80, s16, s19, $0xb8;
	[tilespmem:$0x18800] =	vst v63  }
0x91: {  	_ =	swait.ge [sflag:s22], $0x1400  }
0x92: {  	[sflag:s22] =	ssyncset.done $0x0  }
0x93: {  	[sflag:s22] =	ssyncadd.s32 $0xFFFFEC00  }
0x94: {  	[spmem:s3] =	stream.indirect.scatter.add.f32 [tilespmem:s20], [sflag:$0x3], $0x80, s18, s19, $0xb8;
	[tilespmem:$0x18800] =	vst v63  }
0x95: {  	_ =	swait.ge [sflag:s17], $0x1400  }
0x96: {  	[sflag:s17] =	ssyncset.done $0x0  }
0x97: {  	[sflag:s17] =	ssyncadd.s32 $0xFFFFEC00  }
0x98: {  	_ =	swait.ge [sflag:s23], $0x1400  }
0x99: {  	[sflag:s23] =	ssyncset.done $0x0  }
0x9a: {  	[sflag:s23] =	ssyncadd.s32 $0xFFFFEC00  }
0x9b: {  	[spmem:s3] =	stream.indirect.scatter.add.f32 [tilespmem:s21], [sflag:$0x3], $0x80, s24, s19, $0xb8;
	[tilespmem:$0x18800] =	vst v63  }
0x9c: {  	_ =	swait.ge [sflag:s17], $0x1400  }
0x9d: {  	[sflag:s17] =	ssyncset.done $0x0  }
0x9e: {  	[sflag:s17] =	ssyncadd.s32 $0xFFFFEC00  }
0x9f: {  	[tilespmem:s20], [sflag:$0x1] =	stream.indirect.gather [hbm4b:s0+s19], $0x80, s25, s19, $0xb8;
	[tilespmem:$0x18800] =	vst v63  }
0xa0: {  	_ = 	snop  }
0xa1: {  	[tilespmem:s21], [sflag:$0x2] =	stream.indirect.gather [hbm4b:s0+s19], $0x80, s26, s19, $0xb8;
	[tilespmem:$0x18800] =	vst v63  }
0xa2: {  	_ =	swait.ge [sflag:s22], $0x1400  }
0xa3: {  	[sflag:s22] =	ssyncset.done $0x0  }
0xa4: {  	[sflag:s22] =	ssyncadd.s32 $0xFFFFEC00  }
0xa5: {  	[spmem:s3] =	stream.indirect.scatter.add.f32 [tilespmem:s20], [sflag:$0x3], $0x80, s28, s19, $0xb8;
	[tilespmem:$0x18800] =	vst v63  }
0xa6: {  	_ =	swait.ge [sflag:s17], $0x1400  }
0xa7: {  	[sflag:s17] =	ssyncset.done $0x0  }
0xa8: {  	[sflag:s17] =	ssyncadd.s32 $0xFFFFEC00  }
0xa9: {  	_ =	swait.ge [sflag:s23], $0x1400  }
0xaa: {  	[sflag:s23] =	ssyncset.done $0x0  }
0xab: {  	[sflag:s23] =	ssyncadd.s32 $0xFFFFEC00  }
0xac: {  	[spmem:s3] =	stream.indirect.scatter.add.f32 [tilespmem:s21], [sflag:$0x3], $0x80, s29, s19, $0xb8;
	[tilespmem:$0x18800] =	vst v63  }
0xad: {  	_ =	swait.ge [sflag:s17], $0x1400  }
0xae: {  	[sflag:s17] =	ssyncset.done $0x0  }
0xaf: {  	[sflag:s17] =	ssyncadd.s32 $0xFFFFEC00  }
0xb0: {  	[tilespmem:s20], [sflag:$0x1] =	stream.indirect.gather [hbm4b:s0+s19], $0x80, s30, s19, $0xb8;
	[tilespmem:$0x18800] =	vst v63  }
0xb1: {  	_ = 	snop  }
0xb2: {  	[tilespmem:s21], [sflag:$0x2] =	stream.indirect.gather [hbm4b:s0+s19], $0x80, s31, s19, $0xb8;
	[tilespmem:$0x18800] =	vst v63  }
0xb3: {  	_ =	swait.ge [sflag:s22], $0x1400  }
0xb4: {  	[sflag:s22] =	ssyncset.done $0x0  }
0xb5: {  	[sflag:s22] =	ssyncadd.s32 $0xFFFFEC00  }
0xb6: {  	[spmem:s3] =	stream.indirect.scatter.add.f32 [tilespmem:s20], [sflag:$0x3], $0x80, s2, s19, $0xb8;
	[tilespmem:$0x18800] =	vst v63  }
0xb7: {  	_ =	swait.ge [sflag:s17], $0x1400  }
0xb8: {  	[sflag:s17] =	ssyncset.done $0x0  }
0xb9: {  	[sflag:s17] =	ssyncadd.s32 $0xFFFFEC00  }
0xba: {  	_ =	swait.ge [sflag:s23], $0x1400  }
0xbb: {  	[sflag:s23] =	ssyncset.done $0x0  }
0xbc: {  	[sflag:s23] =	ssyncadd.s32 $0xFFFFEC00  }
0xbd: {  	[spmem:s3] =	stream.indirect.scatter.add.f32 [tilespmem:s21], [sflag:$0x3], $0x80, s1, s19, $0xb8;
	[tilespmem:$0x18800] =	vst v63  }
0xbe: {  	_ =	swait.ge [sflag:s17], $0x1400  }
0xbf: {  	[sflag:s17] =	ssyncset.done $0x0  }
0xc0: {  	[sflag:s17] =	ssyncadd.s32 $0xFFFFEC00  }
0xc1: {  	[tilespmem:s20], [sflag:$0x1] =	stream.indirect.gather [hbm4b:s0+s19], $0x80, s6, s19, $0xb8;
	[tilespmem:$0x18800] =	vst v63  }
0xc2: {  	_ = 	snop  }
0xc3: {  	[tilespmem:s21], [sflag:$0x2] =	stream.indirect.gather [hbm4b:s0+s19], $0x80, s8, s19, $0xb8;
	[tilespmem:$0x18800] =	vst v63  }
0xc4: {  	_ =	swait.ge [sflag:s22], $0x1400  }
0xc5: {  	[sflag:s22] =	ssyncset.done $0x0  }
0xc6: {  	[sflag:s22] =	ssyncadd.s32 $0xFFFFEC00  }
0xc7: {  	[spmem:s3] =	stream.indirect.scatter.add.f32 [tilespmem:s20], [sflag:$0x3], $0x80, s9, s19, $0xb8;
	[tilespmem:$0x18800] =	vst v63  }
0xc8: {  	_ =	swait.ge [sflag:s17], $0x1400  }
0xc9: {  	[sflag:s17] =	ssyncset.done $0x0  }
0xca: {  	[sflag:s17] =	ssyncadd.s32 $0xFFFFEC00  }
0xcb: {  	_ =	swait.ge [sflag:s23], $0x1400  }
0xcc: {  	[sflag:s23] =	ssyncset.done $0x0  }
0xcd: {  	[sflag:s23] =	ssyncadd.s32 $0xFFFFEC00  }
0xce: {  	[spmem:s3] =	stream.indirect.scatter.add.f32 [tilespmem:s21], [sflag:$0x3], $0x80, s11, s19, $0xb8;
	[tilespmem:$0x18800] =	vst v63  }
0xcf: {  	_ =	swait.ge [sflag:s17], $0x1400  }
0xd0: {  	[sflag:s17] =	ssyncset.done $0x0  }
0xd1: {  	[sflag:s17] =	ssyncadd.s32 $0xFFFFEC00  }
0xd2: {  	[tilespmem:s20], [sflag:$0x1] =	stream.indirect.gather [hbm4b:s0+s19], $0x80, s12, s19, $0xb8;
	[tilespmem:$0x18800] =	vst v63  }
0xd3: {  	_ = 	snop  }
0xd4: {  	[tilespmem:s21], [sflag:$0x2] =	stream.indirect.gather [hbm4b:s0+s19], $0x80, s13, s19, $0xb8;
	[tilespmem:$0x18800] =	vst v63  }
0xd5: {  	_ =	swait.ge [sflag:s22], $0x1400  }
0xd6: {  	[sflag:s22] =	ssyncset.done $0x0  }
0xd7: {  	[sflag:s22] =	ssyncadd.s32 $0xFFFFEC00  }
0xd8: {  	[spmem:s3] =	stream.indirect.scatter.add.f32 [tilespmem:s20], [sflag:$0x3], $0x80, s14, s19, $0xb8;
	[tilespmem:$0x18800] =	vst v63  }
0xd9: {  	_ =	swait.ge [sflag:s17], $0x1400  }
0xda: {  	[sflag:s17] =	ssyncset.done $0x0  }
0xdb: {  	p0 =	sne.s32 s7, $0x1800;
	[sflag:s17] =	ssyncadd.s32 $0xFFFFEC00  }
.Ltmp0:
0xdc: {  	_ =	swait.ge [sflag:s23], $0x1400;
	(pc) =	sbr.rel @p0 .LBB2_2-.Ltmp0, $4  }
0xdd: {  	[sflag:s23] =	ssyncset.done $0x0  }
0xde: {  	[sflag:s23] =	ssyncadd.s32 $0xFFFFEC00  }
0xdf: {  	[spmem:s3] =	stream.indirect.scatter.add.f32 [tilespmem:s21], [sflag:$0x3], $0x80, s15, s19, $0xb8;
	[tilespmem:$0x18800] =	vst v63  }
0xe0: {  	s7 =	sadd.s32 $0x100, s7;
	_ =	swait.ge [sflag:s17], $0x1400  }
0xe1: {  	[sflag:s17] =	ssyncset.done $0x0  }
0xe2: {  	[sflag:s17] =	ssyncadd.s32 $0xFFFFEC00  }
0xe3: {  	[bflag:$0x0] =	sbarrier.arrive $0xFFFF  }
0xe4: {  	s7 =	rddreg [dreg:$0xa]  }
0xe5: {  	s10 =	rddreg [dreg:$0xb]  }
0xe6: {  	s16 =	rddreg [dreg:$0x13]  }
0xe7: {  	[hbm:s10], [sflag:s7] =	dma.local [spmem:s16], $0x2800  }
0xe8: {  	_ =	swait.ge [sflag:s17], $0x2800  }
0xe9: {  	[sflag:s17] =	ssyncset.done $0x0  }
0xea: {  	s10 =	rddreg [dreg:$0x8];
	[sflag:s17] =	ssyncadd.s32 $0xFFFFD800  }
0xeb: {  	[spmem:s16], [sflag:s7] =	dma.local [hbm:s10], $0x2800  }
0xec: {  	_ =	swait.ge [sflag:s17], $0x2800  }
0xed: {  	[sflag:s17] =	ssyncset.done $0x0  }
0xee: {  	s7 =	simm.s32 $0x0;
	s16 =	rddreg [dreg:$0x9];
	[sflag:s17] =	ssyncadd.s32 $0xFFFFD800  }
0xef: {  	[tilespmem:s20], [sflag:$0x3] =	stream.linear.gather [hbm4b:s16+s7], $0x2800, $0x38;
	[tilespmem:$0x18800] =	vst v63  }
0xf0: {  	_ =	swait.ge [sflag:s17], $0x2800  }
0xf1: {  	[sflag:s17] =	ssyncset.done $0x0  }
0xf2: {  	[sflag:s17] =	ssyncadd.s32 $0xFFFFD800  }
0xf3: {  	[bflag:$0x0] =	sbarrier.arrive $0xFFFF  }
0xf4: {  	s16 =	simm.s32 $0x1000;
	s10 =	rddreg [dreg:$0xd]  }
0xf5: {  	[tilespmem:s16], [sflag:$0x3] =	stream.linear.gather [hbm4b:s10+s7], $0xC80, $0x38;
	[tilespmem:$0x18800] =	vst v63  }
0xf6: {  	_ =	swait.ge [sflag:s17], $0xC80  }
0xf7: {  	[sflag:s17] =	ssyncset.done $0x0  }
0xf8: {  	s10 =	simm.s32 $0x1000;
	[sflag:s17] =	ssyncadd.s32 $0xFFFFF380  }
0xf9: {  	[spmem:s3] =	stream.indirect.scatter.add.f32 [tilespmem:s20], [sflag:$0x3], $0x80, s10, s5, $0xb8;
	[tilespmem:$0x18800] =	vst v63  }
0xfa: {  	s7 =	simm.s32 $0x200;
	_ =	swait.ge [sflag:s17], $0x2800  }
.LBB2_4:
0xfb: {  	s10 =	sshra.s32 s7, $0x2;
	[sflag:s17] =	ssyncset.done $0x0;
	p0 =	sne.s32 s7, $0x3000  }
.Ltmp1:
0xfc: {  	s10 =	sadd.s32 $0x1000, s10;
	[sflag:s17] =	ssyncadd.s32 $0xFFFFD800;
	(pc) =	sbr.rel @p0 .LBB2_4-.Ltmp1, $3  }
0xfd: {  	[spmem:s3] =	stream.indirect.scatter.add.f32 [tilespmem:s20], [sflag:$0x3], $0x80, s10, s5, $0xb8;
	[tilespmem:$0x18800] =	vst v63  }
0xfe: {  	s7 =	sadd.s32 $0x200, s7;
	_ =	sdelay $0x1  }
0xff: {  	_ =	swait.ge [sflag:s17], $0x2800  }
0x100: {  	[sflag:s17] =	ssyncset.done $0x0  }
0x101: {  	s7 =	simm.s32 $0x0;
	s10 =	rddreg [dreg:$0xf];
	[sflag:s17] =	ssyncadd.s32 $0xFFFFD800  }
0x102: {  	[tilespmem:s16], [sflag:$0x3] =	stream.linear.gather [hbm4b:s10+s7], $0xC80, $0x38;
	[tilespmem:$0x18800] =	vst v63  }
0x103: {  	_ =	swait.ge [sflag:s17], $0xC80  }
0x104: {  	[sflag:s17] =	ssyncset.done $0x0  }
0x105: {  	s10 =	simm.s32 $0x1000;
	[sflag:s17] =	ssyncadd.s32 $0xFFFFF380  }
0x106: {  	[spmem:s3] =	stream.indirect.scatter.add.f32 [tilespmem:s20], [sflag:$0x3], $0x80, s10, s5, $0xb8;
	[tilespmem:$0x18800] =	vst v63  }
0x107: {  	s7 =	simm.s32 $0x200;
	_ =	swait.ge [sflag:s17], $0x2800  }
.LBB2_6:
0x108: {  	s10 =	sshra.s32 s7, $0x2;
	[sflag:s17] =	ssyncset.done $0x0;
	p0 =	sne.s32 s7, $0x3000  }
.Ltmp2:
0x109: {  	s10 =	sadd.s32 $0x1000, s10;
	[sflag:s17] =	ssyncadd.s32 $0xFFFFD800;
	(pc) =	sbr.rel @p0 .LBB2_6-.Ltmp2, $3  }
0x10a: {  	[spmem:s3] =	stream.indirect.scatter.add.f32 [tilespmem:s20], [sflag:$0x3], $0x80, s10, s5, $0xb8;
	[tilespmem:$0x18800] =	vst v63  }
0x10b: {  	s7 =	sadd.s32 $0x200, s7;
	_ =	sdelay $0x1  }
0x10c: {  	_ =	swait.ge [sflag:s17], $0x2800  }
0x10d: {  	[sflag:s17] =	ssyncset.done $0x0  }
0x10e: {  	s7 =	simm.s32 $0x0;
	s10 =	rddreg [dreg:$0x10];
	[sflag:s17] =	ssyncadd.s32 $0xFFFFD800  }
0x10f: {  	[tilespmem:s16], [sflag:$0x3] =	stream.linear.gather [hbm4b:s10+s7], $0xC80, $0x38;
	[tilespmem:$0x18800] =	vst v63  }
0x110: {  	_ =	swait.ge [sflag:s17], $0xC80  }
0x111: {  	[sflag:s17] =	ssyncset.done $0x0  }
0x112: {  	s10 =	simm.s32 $0x1000;
	[sflag:s17] =	ssyncadd.s32 $0xFFFFF380  }
0x113: {  	[spmem:s3] =	stream.indirect.scatter.add.f32 [tilespmem:s20], [sflag:$0x3], $0x80, s10, s5, $0xb8;
	[tilespmem:$0x18800] =	vst v63  }
0x114: {  	s7 =	simm.s32 $0x200;
	_ =	swait.ge [sflag:s17], $0x2800  }
.LBB2_8:
0x115: {  	s10 =	sshra.s32 s7, $0x2;
	[sflag:s17] =	ssyncset.done $0x0;
	p0 =	sne.s32 s7, $0x3000  }
.Ltmp3:
0x116: {  	s10 =	sadd.s32 $0x1000, s10;
	[sflag:s17] =	ssyncadd.s32 $0xFFFFD800;
	(pc) =	sbr.rel @p0 .LBB2_8-.Ltmp3, $3  }
0x117: {  	[spmem:s3] =	stream.indirect.scatter.add.f32 [tilespmem:s20], [sflag:$0x3], $0x80, s10, s5, $0xb8;
	[tilespmem:$0x18800] =	vst v63  }
0x118: {  	s7 =	sadd.s32 $0x200, s7;
	_ =	sdelay $0x1  }
0x119: {  	_ =	swait.ge [sflag:s17], $0x2800  }
0x11a: {  	[sflag:s17] =	ssyncset.done $0x0  }
0x11b: {  	s7 =	simm.s32 $0x0;
	s10 =	rddreg [dreg:$0x11];
	[sflag:s17] =	ssyncadd.s32 $0xFFFFD800  }
0x11c: {  	[tilespmem:s16], [sflag:$0x3] =	stream.linear.gather [hbm4b:s10+s7], $0xC80, $0x38;
	[tilespmem:$0x18800] =	vst v63  }
0x11d: {  	_ =	swait.ge [sflag:s17], $0xC80  }
0x11e: {  	[sflag:s17] =	ssyncset.done $0x0  }
0x11f: {  	s10 =	simm.s32 $0x1000;
	[sflag:s17] =	ssyncadd.s32 $0xFFFFF380  }
0x120: {  	[spmem:s3] =	stream.indirect.scatter.add.f32 [tilespmem:s20], [sflag:$0x3], $0x80, s10, s5, $0xb8;
	[tilespmem:$0x18800] =	vst v63  }
0x121: {  	s7 =	simm.s32 $0x200;
	_ =	swait.ge [sflag:s17], $0x2800  }
.LBB2_10:
0x122: {  	s10 =	sshra.s32 s7, $0x2;
	[sflag:s17] =	ssyncset.done $0x0;
	p0 =	sne.s32 s7, $0x3000  }
.Ltmp4:
0x123: {  	s10 =	sadd.s32 $0x1000, s10;
	[sflag:s17] =	ssyncadd.s32 $0xFFFFD800;
	(pc) =	sbr.rel @p0 .LBB2_10-.Ltmp4, $3  }
0x124: {  	[spmem:s3] =	stream.indirect.scatter.add.f32 [tilespmem:s20], [sflag:$0x3], $0x80, s10, s5, $0xb8;
	[tilespmem:$0x18800] =	vst v63  }
0x125: {  	s7 =	sadd.s32 $0x200, s7;
	_ =	sdelay $0x1  }
0x126: {  	_ =	swait.ge [sflag:s17], $0x2800  }
0x127: {  	[sflag:s17] =	ssyncset.done $0x0  }
0x128: {  	s7 =	simm.s32 $0x0;
	s10 =	rddreg [dreg:$0x12];
	[sflag:s17] =	ssyncadd.s32 $0xFFFFD800  }
0x129: {  	[tilespmem:s16], [sflag:$0x3] =	stream.linear.gather [hbm4b:s10+s7], $0xC80, $0x38;
	[tilespmem:$0x18800] =	vst v63  }
0x12a: {  	_ =	swait.ge [sflag:s17], $0xC80  }
0x12b: {  	[sflag:s17] =	ssyncset.done $0x0  }
0x12c: {  	s16 =	simm.s32 $0x1000;
	[sflag:s17] =	ssyncadd.s32 $0xFFFFF380  }
0x12d: {  	[spmem:s3] =	stream.indirect.scatter.add.f32 [tilespmem:s20], [sflag:$0x3], $0x80, s16, s5, $0xb8;
	[tilespmem:$0x18800] =	vst v63  }
0x12e: {  	s7 =	simm.s32 $0x200;
	_ =	swait.ge [sflag:s17], $0x2800  }
.LBB2_12:
0x12f: {  	s10 =	sshra.s32 s7, $0x2;
	[sflag:s17] =	ssyncset.done $0x0;
	p0 =	sne.s32 s7, $0x3000  }
.Ltmp5:
0x130: {  	s10 =	sadd.s32 $0x1000, s10;
	[sflag:s17] =	ssyncadd.s32 $0xFFFFD800;
	(pc) =	sbr.rel @p0 .LBB2_12-.Ltmp5, $3  }
0x131: {  	[spmem:s3] =	stream.indirect.scatter.add.f32 [tilespmem:s20], [sflag:$0x3], $0x80, s10, s5, $0xb8;
	[tilespmem:$0x18800] =	vst v63  }
0x132: {  	s7 =	sadd.s32 $0x200, s7;
	_ =	sdelay $0x1  }
0x133: {  	_ =	swait.ge [sflag:s17], $0x2800  }
0x134: {  	[sflag:s17] =	ssyncset.done $0x0  }
0x135: {  	[sflag:s17] =	ssyncadd.s32 $0xFFFFD800  }
0x136: {  	[bflag:$0x0] =	sbarrier.arrive $0xFFFF  }
0x137: {  	s10 =	rddreg [dreg:$0xa]  }
0x138: {  	s7 =	rddreg [dreg:$0xc]  }
0x139: {  	s16 =	rddreg [dreg:$0x13]  }
0x13a: {  	[hbm:s7], [sflag:s10] =	dma.local [spmem:s16], $0x2800  }
0x13b: {  	_ =	swait.ge [sflag:s17], $0x2800  }
0x13c: {  	s7 =	rddreg [dreg:$0x14]  }
0x13d: {  	s10 =	sadd.s32 $0x1, s7;
	s7 =	rddreg [dreg:$0xe]  }
0x13e: {  	p0 =	sne.s32 s10, s7  }
.Ltmp6:
0x13f: {  	_ = 	snop;
	(pc) =	sbr.rel @p0 .LBB2_1-.Ltmp6, $3  }
0x140: {  	_ =	sdelay $0x1  }
0x141: {  	[sflag:s17] =	ssyncset.done $0x0  }
0x142: {  	[sflag:s17] =	ssyncadd.s32 $0xFFFFD800;
	[dreg:$0x14] =	wrdreg s10;
	s7 =	smov.u32 s16  }
0x143: {  	_ =	sfence.sel $0x180000  }
0x144: {  	[bflag:$0x0] =	sbarrier.arrive $0xFFFF  }
0x145: {  	_ =	strace $0x90000047  }
0x146: {  	s0 =	stileid.u32;
	[bflag:$0x2] =	sbarrier.arrive $0xFFFF  }
0x147: {  	p0 =	sne.s32 s0, $0x0;
	s0 =	rddreg [dreg:$0x4]  }
0x148: {  	s0 =	sadd.s32 @!p0 $0x100000, s0  }
0x149: {  	[sflag:s0] =	ssyncadd.tile.s32 @!p0 $0x1;
	_ =	shalt  }
.Lfunc_end2:
_tile_overlayer_lowered:
.L_overlay_start_2:
0x14a: {  	(tag) =	ssettag $0x2  }
0x14b: {  	s0 =	rddreg [dreg:$0x0];
	s2 =	stileid.u32  }
0x14c: {  	s1 =	rddreg [dreg:$0x1];
	p0 =	sne.s32 s2, $0x0  }
0x14d: {  	s3 =	rddreg [dreg:$0x2];
	[bflag:$0x3] =	sbarrier.arrive $0xFFFF;
	s2 =	simm.s32 @!p0 $0x1C03  }
0x14e: {  	[timem:s3], [sflag:s2] =	dma.local @!p0 [hbm:s0], s1  }
0x14f: {  	s0 =	simm.s32 @!p0 $0x3  }
0x150: {  	_ =	swait.ge @!p0 [sflag:s0], s1  }
0x151: {  	s1 =	ssub.s32 @!p0 $0x0, s1;
	[sflag:s0] =	ssyncset.done @!p0 $0x0  }
0x152: {  	[sflag:s0] =	ssyncadd.s32 @!p0 s1  }
0x153: {  	[bflag:$0x3] =	sbarrier.arrive $0xFFFF  }
0x154: {  	_ =	shalt  }

</sc_bundles>
